<compile_context>
chip_gen: v7x
topology: tpu7x:2x2x1
jax: 0.10.2.dev20260603
libtpu: 0.0.44.dev20260713+nightly
codegen_flags: <defaults>
</compile_context>

<pallas_src>
import functools

import jax
import jax.numpy as jnp
from jax import lax
from jax.experimental import pallas as pl
from jax.experimental.pallas import tpu as pltpu
from jax.experimental.pallas import tpu_sc as plsc

B, S, D = 16384, 200, 64
NC, NS = 2, 16
NW = NC * NS
BLK = 128
NB = 5
ROWS = B * S
NBLK = ROWS // BLK
NBLK_W = NBLK // NW
U = NBLK_W // NB
CB_BYTES = NB * BLK * D * 4
IDX_BYTES = NB * BLK * 4


def _body(idx_hbm, table_hbm, out_hbm,
          idxA, idxB, rowsA, rowsB, table_v, gsem, osemA, osemB, isemA, isemB):
    wid = lax.axis_index("s") * NC + lax.axis_index("c")
    base = wid * NBLK_W

    @pl.when(lax.axis_index("s") == 0)
    def _stage():
        pltpu.sync_copy(table_hbm, table_v)
    plsc.subcore_barrier()

    pltpu.async_copy(idx_hbm.at[pl.ds(base, NB)], idxA, isemA)
    pltpu.async_copy(idx_hbm.at[pl.ds(base + NB, NB)], idxB, isemB)
    pltpu.async_copy(out_hbm.at[pl.ds(base, NB)], rowsA, osemA)
    pltpu.async_copy(out_hbm.at[pl.ds(base, NB)], rowsB, osemB)

    def sub(u, idx_v, rows_v, osem, isem):
        bstart = base + u * NB
        pltpu.make_async_copy(idx_hbm.at[pl.ds(base, NB)], idx_v, isem).wait()
        pltpu.make_async_copy(out_hbm.at[pl.ds(base, NB)], rows_v, osem).wait()
        hs = [
            pltpu.async_copy(table_v.at[idx_v.at[j]], rows_v.at[j], gsem)
            for j in range(NB)
        ]
        for h in hs:
            h.wait()
        u_pref = jnp.minimum(u + 2, U - 1)
        pltpu.async_copy(idx_hbm.at[pl.ds(base + u_pref * NB, NB)], idx_v, isem)
        pltpu.async_copy(rows_v, out_hbm.at[pl.ds(bstart, NB)], osem)

    def body(t, carry):
        sub(2 * t, idxA, rowsA, osemA, isemA)
        sub(2 * t + 1, idxB, rowsB, osemB, isemB)
        return carry

    lax.fori_loop(0, U // 2, body, 0)

    pltpu.make_async_copy(out_hbm.at[pl.ds(base, NB)], rowsA, osemA).wait()
    pltpu.make_async_copy(out_hbm.at[pl.ds(base, NB)], rowsB, osemB).wait()
    pltpu.make_async_copy(idx_hbm.at[pl.ds(base, NB)], idxA, isemA).wait()
    pltpu.make_async_copy(idx_hbm.at[pl.ds(base, NB)], idxB, isemB).wait()


_mesh = plsc.VectorSubcoreMesh(core_axis_name="c", subcore_axis_name="s")

_gather = functools.partial(
    pl.kernel,
    out_type=jax.ShapeDtypeStruct((NBLK, BLK, D), jnp.float32),
    mesh=_mesh,
    scratch_types=[
        pltpu.VMEM((NB, BLK), jnp.int32),
        pltpu.VMEM((NB, BLK), jnp.int32),
        pltpu.VMEM((NB, BLK, D), jnp.float32),
        pltpu.VMEM((NB, BLK, D), jnp.float32),
        pltpu.VMEM_SHARED((65, D), jnp.float32),
        pltpu.SemaphoreType.DMA,
        pltpu.SemaphoreType.DMA,
        pltpu.SemaphoreType.DMA,
        pltpu.SemaphoreType.DMA,
        pltpu.SemaphoreType.DMA,
    ],
    compiler_params=pltpu.CompilerParams(use_tc_tiling_on_sc=False, needs_layout_passes=False),
)(_body)


def kernel(indices, table):
    idx = indices.reshape(NBLK, BLK).astype(jnp.int32)
    out = _gather(idx, table.astype(jnp.float32))
    return out.reshape(B, S, D)

# --- scband reference (transcript-rebuilt; emitter-appended) ---
"""Pipeline reference for scband-simple-gather-57045755625667 (READ-ONLY COPY).

The authoritative reference and input builder live on the scoring server;
editing this copy changes nothing except your own understanding.
"""

import jax, jax.numpy as jnp
import numpy as np


def setup_inputs(seed: int = 0) -> dict:
    key = jax.random.key(seed)
    k_idx = jax.random.fold_in(key, 0)
    indices = jax.random.randint(k_idx, (16384, 200), 0, 65, dtype=jnp.int64 if jax.config.jax_enable_x64 else jnp.int32)
    # Learned parameter: embedding table initialized to arange, matching the torch module
    table = jnp.arange(65 * 64, dtype=jnp.float32).reshape(65, 64)
    return {"indices": indices, "table": table}


def reference(indices, table):
    # torch.nn.Embedding lookup == row gather from the table
    return jnp.take(table, indices, axis=0)

if __name__ == "__main__":
    import jax
    _d = setup_inputs()
    print(jax.jit(kernel)(*tuple(_d.values())))

</pallas_src>

<mosaic_0001>
#map = affine_map<(d0, d1) -> (0, 0)>
#map1 = affine_map<(d0, d1) -> (0, 0, 0)>
module attributes {stable_mosaic.version = 14 : i64} {
  func.func @_body(%arg0: i32, %arg1: i32, %arg2: memref<25600x128xi32, #tpu.memory_space<hbm>>, %arg3: memref<65x64xf32, #tpu.memory_space<hbm>>, %arg4: memref<25600x128x64xf32, #tpu.memory_space<hbm>>, %arg5: memref<5x128xi32, #tpu.memory_space<vmem>>, %arg6: memref<5x128xi32, #tpu.memory_space<vmem>>, %arg7: memref<5x128x64xf32, #tpu.memory_space<vmem>>, %arg8: memref<5x128x64xf32, #tpu.memory_space<vmem>>, %arg9: memref<65x64xf32, #tpu.memory_space<vmem_shared>>, %arg10: memref<!tpu.dma_semaphore, #tpu.memory_space<semaphore_mem>>, %arg11: memref<!tpu.dma_semaphore, #tpu.memory_space<semaphore_mem>>, %arg12: memref<!tpu.dma_semaphore, #tpu.memory_space<semaphore_mem>>, %arg13: memref<!tpu.dma_semaphore, #tpu.memory_space<semaphore_mem>>, %arg14: memref<!tpu.dma_semaphore, #tpu.memory_space<semaphore_mem>>) attributes {dimension_semantics = [#tpu.dimension_semantics<core_parallel>, #tpu.dimension_semantics<subcore_parallel>], iteration_bounds = array<i64: 2, 16>, scalar_prefetch = 0 : i64, scratch_operands = 10 : i64, tpu.core_type = #tpu.core_type<sc_vector_subcore>, window_params = [{transform_indices = #map}, {transform_indices = #map}, {transform_indices = #map1}]} {
    %mul3A = arith.constant 2 : i32
    %mul3A_0 = arith.muli %arg1, %mul3A : i32
    %add3A = arith.addi %mul3A_0, %arg0 : i32
    %mul3A_1 = arith.constant 800 : i32
    %mul3A_2 = arith.muli %add3A, %mul3A_1 : i32
    %eq3A = arith.constant 0 : i32
    %eq3A_3 = arith.cmpi eq, %arg1, %eq3A : i32
    %convert_element_type3A = arith.extui %eq3A_3 : i1 to i32
    %cond3A = arith.constant 0 : i32
    %cond3A_4 = arith.cmpi ne, %convert_element_type3A, %cond3A : i32
    scf.if %cond3A_4 {
      "tpu.region"() ({
        %run_scoped3A = tpu.sem_alloc : memref<!tpu.dma_semaphore, #tpu.memory_space<semaphore_mem>>
        tpu.enqueue_dma source(%arg3 : memref<65x64xf32, #tpu.memory_space<hbm>>) target(%arg9 : memref<65x64xf32, #tpu.memory_space<vmem_shared>>) target_semaphore(%run_scoped3A : memref<!tpu.dma_semaphore, #tpu.memory_space<semaphore_mem>>)
        tpu.wait_dma2 semaphore(%run_scoped3A : memref<!tpu.dma_semaphore, #tpu.memory_space<semaphore_mem>>) src(%arg3 : memref<65x64xf32, #tpu.memory_space<hbm>>) dst(%arg9 : memref<65x64xf32, #tpu.memory_space<vmem_shared>>)
        tpu.yield
      }) : () -> ()
    } else {
    }
    %barrier3A = arith.constant 0 : index
    tpu.barrier barrier_id(%barrier3A)
    %dma_start3A = arith.constant 0 : i32
    %dma_start3A_5 = tpu.memref_slice %arg2[%mul3A_2, %dma_start3A] : memref<25600x128xi32, #tpu.memory_space<hbm>> -> memref<5x128xi32, #tpu.memory_space<hbm>>
    %dma_start3A_6 = arith.constant 0 : i32
    %dma_start3A_7 = tpu.memref_slice %arg2[%mul3A_2, %dma_start3A_6] : memref<25600x128xi32, #tpu.memory_space<hbm>> -> memref<5x128xi32, #tpu.memory_space<hbm>>
    tpu.enqueue_dma source(%dma_start3A_7 : memref<5x128xi32, #tpu.memory_space<hbm>>) target(%arg5 : memref<5x128xi32, #tpu.memory_space<vmem>>) target_semaphore(%arg13 : memref<!tpu.dma_semaphore, #tpu.memory_space<semaphore_mem>>)
    %add3A_8 = arith.constant 5 : i32
    %add3A_9 = arith.addi %mul3A_2, %add3A_8 : i32
    %dma_start3A_10 = arith.constant 0 : i32
    %dma_start3A_11 = tpu.memref_slice %arg2[%add3A_9, %dma_start3A_10] : memref<25600x128xi32, #tpu.memory_space<hbm>> -> memref<5x128xi32, #tpu.memory_space<hbm>>
    %dma_start3A_12 = arith.constant 0 : i32
    %dma_start3A_13 = tpu.memref_slice %arg2[%add3A_9, %dma_start3A_12] : memref<25600x128xi32, #tpu.memory_space<hbm>> -> memref<5x128xi32, #tpu.memory_space<hbm>>
    tpu.enqueue_dma source(%dma_start3A_13 : memref<5x128xi32, #tpu.memory_space<hbm>>) target(%arg6 : memref<5x128xi32, #tpu.memory_space<vmem>>) target_semaphore(%arg14 : memref<!tpu.dma_semaphore, #tpu.memory_space<semaphore_mem>>)
    %dma_start3A_14 = arith.constant 0 : i32
    %dma_start3A_15 = arith.constant 0 : i32
    %dma_start3A_16 = tpu.memref_slice %arg4[%mul3A_2, %dma_start3A_14, %dma_start3A_15] : memref<25600x128x64xf32, #tpu.memory_space<hbm>> -> memref<5x128x64xf32, #tpu.memory_space<hbm>>
    %dma_start3A_17 = arith.constant 0 : i32
    %dma_start3A_18 = arith.constant 0 : i32
    %dma_start3A_19 = tpu.memref_slice %arg4[%mul3A_2, %dma_start3A_17, %dma_start3A_18] : memref<25600x128x64xf32, #tpu.memory_space<hbm>> -> memref<5x128x64xf32, #tpu.memory_space<hbm>>
    tpu.enqueue_dma source(%dma_start3A_19 : memref<5x128x64xf32, #tpu.memory_space<hbm>>) target(%arg7 : memref<5x128x64xf32, #tpu.memory_space<vmem>>) target_semaphore(%arg11 : memref<!tpu.dma_semaphore, #tpu.memory_space<semaphore_mem>>)
    %dma_start3A_20 = arith.constant 0 : i32
    %dma_start3A_21 = arith.constant 0 : i32
    %dma_start3A_22 = tpu.memref_slice %arg4[%mul3A_2, %dma_start3A_20, %dma_start3A_21] : memref<25600x128x64xf32, #tpu.memory_space<hbm>> -> memref<5x128x64xf32, #tpu.memory_space<hbm>>
    %dma_start3A_23 = arith.constant 0 : i32
    %dma_start3A_24 = arith.constant 0 : i32
    %dma_start3A_25 = tpu.memref_slice %arg4[%mul3A_2, %dma_start3A_23, %dma_start3A_24] : memref<25600x128x64xf32, #tpu.memory_space<hbm>> -> memref<5x128x64xf32, #tpu.memory_space<hbm>>
    tpu.enqueue_dma source(%dma_start3A_25 : memref<5x128x64xf32, #tpu.memory_space<hbm>>) target(%arg8 : memref<5x128x64xf32, #tpu.memory_space<vmem>>) target_semaphore(%arg12 : memref<!tpu.dma_semaphore, #tpu.memory_space<semaphore_mem>>)
    %scan3A = arith.constant 0 : i32
    %scan3A_26 = arith.constant 0 : i32
    %scan3A_27 = arith.constant 80 : i32
    %scan3A_28 = arith.addi %scan3A_26, %scan3A_27 : i32
    %scan3A_29 = arith.constant 1 : i32
    scf.for %scan3A_50 = %scan3A_26 to %scan3A_28 step %scan3A_29  : i32 {
      %mul3A_51 = arith.constant 2 : i32
      %mul3A_52 = arith.muli %mul3A_51, %scan3A_50 : i32
      %mul3A_53 = arith.constant 5 : i32
      %mul3A_54 = arith.muli %mul3A_52, %mul3A_53 : i32
      %add3A_55 = arith.addi %mul3A_2, %mul3A_54 : i32
      %dma_wait3A_56 = arith.constant 0 : i32
      %dma_wait3A_57 = tpu.memref_slice %arg2[%mul3A_2, %dma_wait3A_56] : memref<25600x128xi32, #tpu.memory_space<hbm>> -> memref<5x128xi32, #tpu.memory_space<hbm>>
      %dma_wait3A_58 = arith.constant 0 : i32
      %dma_wait3A_59 = tpu.memref_slice %arg2[%mul3A_2, %dma_wait3A_58] : memref<25600x128xi32, #tpu.memory_space<hbm>> -> memref<5x128xi32, #tpu.memory_space<hbm>>
      tpu.wait_dma2 semaphore(%arg13 : memref<!tpu.dma_semaphore, #tpu.memory_space<semaphore_mem>>) src(%dma_wait3A_59 : memref<5x128xi32, #tpu.memory_space<hbm>>) dst(%arg5 : memref<5x128xi32, #tpu.memory_space<vmem>>)
      %dma_wait3A_60 = arith.constant 0 : i32
      %dma_wait3A_61 = arith.constant 0 : i32
      %dma_wait3A_62 = tpu.memref_slice %arg4[%mul3A_2, %dma_wait3A_60, %dma_wait3A_61] : memref<25600x128x64xf32, #tpu.memory_space<hbm>> -> memref<5x128x64xf32, #tpu.memory_space<hbm>>
      %dma_wait3A_63 = arith.constant 0 : i32
      %dma_wait3A_64 = arith.constant 0 : i32
      %dma_wait3A_65 = tpu.memref_slice %arg4[%mul3A_2, %dma_wait3A_63, %dma_wait3A_64] : memref<25600x128x64xf32, #tpu.memory_space<hbm>> -> memref<5x128x64xf32, #tpu.memory_space<hbm>>
      tpu.wait_dma2 semaphore(%arg11 : memref<!tpu.dma_semaphore, #tpu.memory_space<semaphore_mem>>) src(%dma_wait3A_65 : memref<5x128x64xf32, #tpu.memory_space<hbm>>) dst(%arg7 : memref<5x128x64xf32, #tpu.memory_space<vmem>>)
      %dma_start3A_66 = arith.constant 0 : i32
      %dma_start3A_67 = arith.constant 0 : i32
      %dma_start3A_68 = arith.constant 0 : i32
      %dma_start3A_69 = arith.constant 0 : i32
      %dma_start3A_70 = tpu.memref_slice %arg7[%dma_start3A_67, %dma_start3A_68, %dma_start3A_69] : memref<5x128x64xf32, #tpu.memory_space<vmem>> -> memref<1x128x64xf32, #tpu.memory_space<vmem>>
      %dma_start3A_71 = tpu.memref_squeeze %dma_start3A_70 : memref<1x128x64xf32, #tpu.memory_space<vmem>> -> memref<128x64xf32, #tpu.memory_space<vmem>>
      %dma_start3A_72 = arith.constant 0 : i32
      %dma_start3A_73 = tpu.memref_slice %arg5[%dma_start3A_66, %dma_start3A_72] : memref<5x128xi32, #tpu.memory_space<vmem>> -> memref<1x128xi32, #tpu.memory_space<vmem>>
      %dma_start3A_74 = tpu.memref_squeeze %dma_start3A_73 : memref<1x128xi32, #tpu.memory_space<vmem>> -> memref<128xi32, #tpu.memory_space<vmem>>
      %dma_start3A_75 = arith.constant 0 : i32
      %dma_start3A_76 = arith.constant 0 : i32
      %dma_start3A_77 = tpu.memref_slice %arg9[%dma_start3A_75, %dma_start3A_76] : memref<65x64xf32, #tpu.memory_space<vmem_shared>> -> memref<65x64xf32, #tpu.memory_space<vmem_shared>>
      tpu.enqueue_indirect_dma source(%dma_start3A_77 : memref<65x64xf32, #tpu.memory_space<vmem_shared>>) target(%dma_start3A_71 : memref<128x64xf32, #tpu.memory_space<vmem>>) offsets(%dma_start3A_74 : memref<128xi32, #tpu.memory_space<vmem>>) semaphore(%arg10 : memref<!tpu.dma_semaphore, #tpu.memory_space<semaphore_mem>>)
      %dma_start3A_78 = arith.constant 1 : i32
      %dma_start3A_79 = arith.constant 1 : i32
      %dma_start3A_80 = arith.constant 0 : i32
      %dma_start3A_81 = arith.constant 0 : i32
      %dma_start3A_82 = tpu.memref_slice %arg7[%dma_start3A_79, %dma_start3A_80, %dma_start3A_81] : memref<5x128x64xf32, #tpu.memory_space<vmem>> -> memref<1x128x64xf32, #tpu.memory_space<vmem>>
      %dma_start3A_83 = tpu.memref_squeeze %dma_start3A_82 : memref<1x128x64xf32, #tpu.memory_space<vmem>> -> memref<128x64xf32, #tpu.memory_space<vmem>>
      %dma_start3A_84 = arith.constant 0 : i32
      %dma_start3A_85 = tpu.memref_slice %arg5[%dma_start3A_78, %dma_start3A_84] : memref<5x128xi32, #tpu.memory_space<vmem>> -> memref<1x128xi32, #tpu.memory_space<vmem>>
      %dma_start3A_86 = tpu.memref_squeeze %dma_start3A_85 : memref<1x128xi32, #tpu.memory_space<vmem>> -> memref<128xi32, #tpu.memory_space<vmem>>
      %dma_start3A_87 = arith.constant 0 : i32
      %dma_start3A_88 = arith.constant 0 : i32
      %dma_start3A_89 = tpu.memref_slice %arg9[%dma_start3A_87, %dma_start3A_88] : memref<65x64xf32, #tpu.memory_space<vmem_shared>> -> memref<65x64xf32, #tpu.memory_space<vmem_shared>>
      tpu.enqueue_indirect_dma source(%dma_start3A_89 : memref<65x64xf32, #tpu.memory_space<vmem_shared>>) target(%dma_start3A_83 : memref<128x64xf32, #tpu.memory_space<vmem>>) offsets(%dma_start3A_86 : memref<128xi32, #tpu.memory_space<vmem>>) semaphore(%arg10 : memref<!tpu.dma_semaphore, #tpu.memory_space<semaphore_mem>>)
      %dma_start3A_90 = arith.constant 2 : i32
      %dma_start3A_91 = arith.constant 2 : i32
      %dma_start3A_92 = arith.constant 0 : i32
      %dma_start3A_93 = arith.constant 0 : i32
      %dma_start3A_94 = tpu.memref_slice %arg7[%dma_start3A_91, %dma_start3A_92, %dma_start3A_93] : memref<5x128x64xf32, #tpu.memory_space<vmem>> -> memref<1x128x64xf32, #tpu.memory_space<vmem>>
      %dma_start3A_95 = tpu.memref_squeeze %dma_start3A_94 : memref<1x128x64xf32, #tpu.memory_space<vmem>> -> memref<128x64xf32, #tpu.memory_space<vmem>>
      %dma_start3A_96 = arith.constant 0 : i32
      %dma_start3A_97 = tpu.memref_slice %arg5[%dma_start3A_90, %dma_start3A_96] : memref<5x128xi32, #tpu.memory_space<vmem>> -> memref<1x128xi32, #tpu.memory_space<vmem>>
      %dma_start3A_98 = tpu.memref_squeeze %dma_start3A_97 : memref<1x128xi32, #tpu.memory_space<vmem>> -> memref<128xi32, #tpu.memory_space<vmem>>
      %dma_start3A_99 = arith.constant 0 : i32
      %dma_start3A_100 = arith.constant 0 : i32
      %dma_start3A_101 = tpu.memref_slice %arg9[%dma_start3A_99, %dma_start3A_100] : memref<65x64xf32, #tpu.memory_space<vmem_shared>> -> memref<65x64xf32, #tpu.memory_space<vmem_shared>>
      tpu.enqueue_indirect_dma source(%dma_start3A_101 : memref<65x64xf32, #tpu.memory_space<vmem_shared>>) target(%dma_start3A_95 : memref<128x64xf32, #tpu.memory_space<vmem>>) offsets(%dma_start3A_98 : memref<128xi32, #tpu.memory_space<vmem>>) semaphore(%arg10 : memref<!tpu.dma_semaphore, #tpu.memory_space<semaphore_mem>>)
      %dma_start3A_102 = arith.constant 3 : i32
      %dma_start3A_103 = arith.constant 3 : i32
      %dma_start3A_104 = arith.constant 0 : i32
      %dma_start3A_105 = arith.constant 0 : i32
      %dma_start3A_106 = tpu.memref_slice %arg7[%dma_start3A_103, %dma_start3A_104, %dma_start3A_105] : memref<5x128x64xf32, #tpu.memory_space<vmem>> -> memref<1x128x64xf32, #tpu.memory_space<vmem>>
      %dma_start3A_107 = tpu.memref_squeeze %dma_start3A_106 : memref<1x128x64xf32, #tpu.memory_space<vmem>> -> memref<128x64xf32, #tpu.memory_space<vmem>>
      %dma_start3A_108 = arith.constant 0 : i32
      %dma_start3A_109 = tpu.memref_slice %arg5[%dma_start3A_102, %dma_start3A_108] : memref<5x128xi32, #tpu.memory_space<vmem>> -> memref<1x128xi32, #tpu.memory_space<vmem>>
      %dma_start3A_110 = tpu.memref_squeeze %dma_start3A_109 : memref<1x128xi32, #tpu.memory_space<vmem>> -> memref<128xi32, #tpu.memory_space<vmem>>
      %dma_start3A_111 = arith.constant 0 : i32
      %dma_start3A_112 = arith.constant 0 : i32
      %dma_start3A_113 = tpu.memref_slice %arg9[%dma_start3A_111, %dma_start3A_112] : memref<65x64xf32, #tpu.memory_space<vmem_shared>> -> memref<65x64xf32, #tpu.memory_space<vmem_shared>>
      tpu.enqueue_indirect_dma source(%dma_start3A_113 : memref<65x64xf32, #tpu.memory_space<vmem_shared>>) target(%dma_start3A_107 : memref<128x64xf32, #tpu.memory_space<vmem>>) offsets(%dma_start3A_110 : memref<128xi32, #tpu.memory_space<vmem>>) semaphore(%arg10 : memref<!tpu.dma_semaphore, #tpu.memory_space<semaphore_mem>>)
      %dma_start3A_114 = arith.constant 4 : i32
      %dma_start3A_115 = arith.constant 4 : i32
      %dma_start3A_116 = arith.constant 0 : i32
      %dma_start3A_117 = arith.constant 0 : i32
      %dma_start3A_118 = tpu.memref_slice %arg7[%dma_start3A_115, %dma_start3A_116, %dma_start3A_117] : memref<5x128x64xf32, #tpu.memory_space<vmem>> -> memref<1x128x64xf32, #tpu.memory_space<vmem>>
      %dma_start3A_119 = tpu.memref_squeeze %dma_start3A_118 : memref<1x128x64xf32, #tpu.memory_space<vmem>> -> memref<128x64xf32, #tpu.memory_space<vmem>>
      %dma_start3A_120 = arith.constant 0 : i32
      %dma_start3A_121 = tpu.memref_slice %arg5[%dma_start3A_114, %dma_start3A_120] : memref<5x128xi32, #tpu.memory_space<vmem>> -> memref<1x128xi32, #tpu.memory_space<vmem>>
      %dma_start3A_122 = tpu.memref_squeeze %dma_start3A_121 : memref<1x128xi32, #tpu.memory_space<vmem>> -> memref<128xi32, #tpu.memory_space<vmem>>
      %dma_start3A_123 = arith.constant 0 : i32
      %dma_start3A_124 = arith.constant 0 : i32
      %dma_start3A_125 = tpu.memref_slice %arg9[%dma_start3A_123, %dma_start3A_124] : memref<65x64xf32, #tpu.memory_space<vmem_shared>> -> memref<65x64xf32, #tpu.memory_space<vmem_shared>>
      tpu.enqueue_indirect_dma source(%dma_start3A_125 : memref<65x64xf32, #tpu.memory_space<vmem_shared>>) target(%dma_start3A_119 : memref<128x64xf32, #tpu.memory_space<vmem>>) offsets(%dma_start3A_122 : memref<128xi32, #tpu.memory_space<vmem>>) semaphore(%arg10 : memref<!tpu.dma_semaphore, #tpu.memory_space<semaphore_mem>>)
      %dma_wait3A_126 = arith.constant 0 : i32
      %dma_wait3A_127 = arith.constant 0 : i32
      %dma_wait3A_128 = arith.constant 0 : i32
      %dma_wait3A_129 = arith.constant 0 : i32
      %dma_wait3A_130 = tpu.memref_slice %arg7[%dma_wait3A_127, %dma_wait3A_128, %dma_wait3A_129] : memref<5x128x64xf32, #tpu.memory_space<vmem>> -> memref<1x128x64xf32, #tpu.memory_space<vmem>>
      %dma_wait3A_131 = tpu.memref_squeeze %dma_wait3A_130 : memref<1x128x64xf32, #tpu.memory_space<vmem>> -> memref<128x64xf32, #tpu.memory_space<vmem>>
      %dma_wait3A_132 = arith.constant 0 : i32
      %dma_wait3A_133 = tpu.memref_slice %arg5[%dma_wait3A_126, %dma_wait3A_132] : memref<5x128xi32, #tpu.memory_space<vmem>> -> memref<1x128xi32, #tpu.memory_space<vmem>>
      %dma_wait3A_134 = tpu.memref_squeeze %dma_wait3A_133 : memref<1x128xi32, #tpu.memory_space<vmem>> -> memref<128xi32, #tpu.memory_space<vmem>>
      %dma_wait3A_135 = arith.constant 0 : i32
      %dma_wait3A_136 = arith.constant 0 : i32
      %dma_wait3A_137 = tpu.memref_slice %arg9[%dma_wait3A_135, %dma_wait3A_136] : memref<65x64xf32, #tpu.memory_space<vmem_shared>> -> memref<65x64xf32, #tpu.memory_space<vmem_shared>>
      tpu.wait_indirect_dma semaphore(%arg10 : memref<!tpu.dma_semaphore, #tpu.memory_space<semaphore_mem>>) src(%dma_wait3A_137 : memref<65x64xf32, #tpu.memory_space<vmem_shared>>) dst(%dma_wait3A_131 : memref<128x64xf32, #tpu.memory_space<vmem>>)
      %dma_wait3A_138 = arith.constant 1 : i32
      %dma_wait3A_139 = arith.constant 1 : i32
      %dma_wait3A_140 = arith.constant 0 : i32
      %dma_wait3A_141 = arith.constant 0 : i32
      %dma_wait3A_142 = tpu.memref_slice %arg7[%dma_wait3A_139, %dma_wait3A_140, %dma_wait3A_141] : memref<5x128x64xf32, #tpu.memory_space<vmem>> -> memref<1x128x64xf32, #tpu.memory_space<vmem>>
      %dma_wait3A_143 = tpu.memref_squeeze %dma_wait3A_142 : memref<1x128x64xf32, #tpu.memory_space<vmem>> -> memref<128x64xf32, #tpu.memory_space<vmem>>
      %dma_wait3A_144 = arith.constant 0 : i32
      %dma_wait3A_145 = tpu.memref_slice %arg5[%dma_wait3A_138, %dma_wait3A_144] : memref<5x128xi32, #tpu.memory_space<vmem>> -> memref<1x128xi32, #tpu.memory_space<vmem>>
      %dma_wait3A_146 = tpu.memref_squeeze %dma_wait3A_145 : memref<1x128xi32, #tpu.memory_space<vmem>> -> memref<128xi32, #tpu.memory_space<vmem>>
      %dma_wait3A_147 = arith.constant 0 : i32
      %dma_wait3A_148 = arith.constant 0 : i32
      %dma_wait3A_149 = tpu.memref_slice %arg9[%dma_wait3A_147, %dma_wait3A_148] : memref<65x64xf32, #tpu.memory_space<vmem_shared>> -> memref<65x64xf32, #tpu.memory_space<vmem_shared>>
      tpu.wait_indirect_dma semaphore(%arg10 : memref<!tpu.dma_semaphore, #tpu.memory_space<semaphore_mem>>) src(%dma_wait3A_149 : memref<65x64xf32, #tpu.memory_space<vmem_shared>>) dst(%dma_wait3A_143 : memref<128x64xf32, #tpu.memory_space<vmem>>)
      %dma_wait3A_150 = arith.constant 2 : i32
      %dma_wait3A_151 = arith.constant 2 : i32
      %dma_wait3A_152 = arith.constant 0 : i32
      %dma_wait3A_153 = arith.constant 0 : i32
      %dma_wait3A_154 = tpu.memref_slice %arg7[%dma_wait3A_151, %dma_wait3A_152, %dma_wait3A_153] : memref<5x128x64xf32, #tpu.memory_space<vmem>> -> memref<1x128x64xf32, #tpu.memory_space<vmem>>
      %dma_wait3A_155 = tpu.memref_squeeze %dma_wait3A_154 : memref<1x128x64xf32, #tpu.memory_space<vmem>> -> memref<128x64xf32, #tpu.memory_space<vmem>>
      %dma_wait3A_156 = arith.constant 0 : i32
      %dma_wait3A_157 = tpu.memref_slice %arg5[%dma_wait3A_150, %dma_wait3A_156] : memref<5x128xi32, #tpu.memory_space<vmem>> -> memref<1x128xi32, #tpu.memory_space<vmem>>
      %dma_wait3A_158 = tpu.memref_squeeze %dma_wait3A_157 : memref<1x128xi32, #tpu.memory_space<vmem>> -> memref<128xi32, #tpu.memory_space<vmem>>
      %dma_wait3A_159 = arith.constant 0 : i32
      %dma_wait3A_160 = arith.constant 0 : i32
      %dma_wait3A_161 = tpu.memref_slice %arg9[%dma_wait3A_159, %dma_wait3A_160] : memref<65x64xf32, #tpu.memory_space<vmem_shared>> -> memref<65x64xf32, #tpu.memory_space<vmem_shared>>
      tpu.wait_indirect_dma semaphore(%arg10 : memref<!tpu.dma_semaphore, #tpu.memory_space<semaphore_mem>>) src(%dma_wait3A_161 : memref<65x64xf32, #tpu.memory_space<vmem_shared>>) dst(%dma_wait3A_155 : memref<128x64xf32, #tpu.memory_space<vmem>>)
      %dma_wait3A_162 = arith.constant 3 : i32
      %dma_wait3A_163 = arith.constant 3 : i32
      %dma_wait3A_164 = arith.constant 0 : i32
      %dma_wait3A_165 = arith.constant 0 : i32
      %dma_wait3A_166 = tpu.memref_slice %arg7[%dma_wait3A_163, %dma_wait3A_164, %dma_wait3A_165] : memref<5x128x64xf32, #tpu.memory_space<vmem>> -> memref<1x128x64xf32, #tpu.memory_space<vmem>>
      %dma_wait3A_167 = tpu.memref_squeeze %dma_wait3A_166 : memref<1x128x64xf32, #tpu.memory_space<vmem>> -> memref<128x64xf32, #tpu.memory_space<vmem>>
      %dma_wait3A_168 = arith.constant 0 : i32
      %dma_wait3A_169 = tpu.memref_slice %arg5[%dma_wait3A_162, %dma_wait3A_168] : memref<5x128xi32, #tpu.memory_space<vmem>> -> memref<1x128xi32, #tpu.memory_space<vmem>>
      %dma_wait3A_170 = tpu.memref_squeeze %dma_wait3A_169 : memref<1x128xi32, #tpu.memory_space<vmem>> -> memref<128xi32, #tpu.memory_space<vmem>>
      %dma_wait3A_171 = arith.constant 0 : i32
      %dma_wait3A_172 = arith.constant 0 : i32
      %dma_wait3A_173 = tpu.memref_slice %arg9[%dma_wait3A_171, %dma_wait3A_172] : memref<65x64xf32, #tpu.memory_space<vmem_shared>> -> memref<65x64xf32, #tpu.memory_space<vmem_shared>>
      tpu.wait_indirect_dma semaphore(%arg10 : memref<!tpu.dma_semaphore, #tpu.memory_space<semaphore_mem>>) src(%dma_wait3A_173 : memref<65x64xf32, #tpu.memory_space<vmem_shared>>) dst(%dma_wait3A_167 : memref<128x64xf32, #tpu.memory_space<vmem>>)
      %dma_wait3A_174 = arith.constant 4 : i32
      %dma_wait3A_175 = arith.constant 4 : i32
      %dma_wait3A_176 = arith.constant 0 : i32
      %dma_wait3A_177 = arith.constant 0 : i32
      %dma_wait3A_178 = tpu.memref_slice %arg7[%dma_wait3A_175, %dma_wait3A_176, %dma_wait3A_177] : memref<5x128x64xf32, #tpu.memory_space<vmem>> -> memref<1x128x64xf32, #tpu.memory_space<vmem>>
      %dma_wait3A_179 = tpu.memref_squeeze %dma_wait3A_178 : memref<1x128x64xf32, #tpu.memory_space<vmem>> -> memref<128x64xf32, #tpu.memory_space<vmem>>
      %dma_wait3A_180 = arith.constant 0 : i32
      %dma_wait3A_181 = tpu.memref_slice %arg5[%dma_wait3A_174, %dma_wait3A_180] : memref<5x128xi32, #tpu.memory_space<vmem>> -> memref<1x128xi32, #tpu.memory_space<vmem>>
      %dma_wait3A_182 = tpu.memref_squeeze %dma_wait3A_181 : memref<1x128xi32, #tpu.memory_space<vmem>> -> memref<128xi32, #tpu.memory_space<vmem>>
      %dma_wait3A_183 = arith.constant 0 : i32
      %dma_wait3A_184 = arith.constant 0 : i32
      %dma_wait3A_185 = tpu.memref_slice %arg9[%dma_wait3A_183, %dma_wait3A_184] : memref<65x64xf32, #tpu.memory_space<vmem_shared>> -> memref<65x64xf32, #tpu.memory_space<vmem_shared>>
      tpu.wait_indirect_dma semaphore(%arg10 : memref<!tpu.dma_semaphore, #tpu.memory_space<semaphore_mem>>) src(%dma_wait3A_185 : memref<65x64xf32, #tpu.memory_space<vmem_shared>>) dst(%dma_wait3A_179 : memref<128x64xf32, #tpu.memory_space<vmem>>)
      %add3A_186 = arith.constant 2 : i32
      %add3A_187 = arith.addi %mul3A_52, %add3A_186 : i32
      %min3A = arith.constant 159 : i32
      %min3A_188 = arith.minsi %add3A_187, %min3A : i32
      %mul3A_189 = arith.constant 5 : i32
      %mul3A_190 = arith.muli %min3A_188, %mul3A_189 : i32
      %add3A_191 = arith.addi %mul3A_2, %mul3A_190 : i32
      %dma_start3A_192 = arith.constant 0 : i32
      %dma_start3A_193 = tpu.memref_slice %arg2[%add3A_191, %dma_start3A_192] : memref<25600x128xi32, #tpu.memory_space<hbm>> -> memref<5x128xi32, #tpu.memory_space<hbm>>
      %dma_start3A_194 = arith.constant 0 : i32
      %dma_start3A_195 = tpu.memref_slice %arg2[%add3A_191, %dma_start3A_194] : memref<25600x128xi32, #tpu.memory_space<hbm>> -> memref<5x128xi32, #tpu.memory_space<hbm>>
      tpu.enqueue_dma source(%dma_start3A_195 : memref<5x128xi32, #tpu.memory_space<hbm>>) target(%arg5 : memref<5x128xi32, #tpu.memory_space<vmem>>) target_semaphore(%arg13 : memref<!tpu.dma_semaphore, #tpu.memory_space<semaphore_mem>>)
      %dma_start3A_196 = arith.constant 0 : i32
      %dma_start3A_197 = arith.constant 0 : i32
      %dma_start3A_198 = tpu.memref_slice %arg4[%add3A_55, %dma_start3A_196, %dma_start3A_197] : memref<25600x128x64xf32, #tpu.memory_space<hbm>> -> memref<5x128x64xf32, #tpu.memory_space<hbm>>
      %dma_start3A_199 = arith.constant 0 : i32
      %dma_start3A_200 = arith.constant 0 : i32
      %dma_start3A_201 = tpu.memref_slice %arg4[%add3A_55, %dma_start3A_199, %dma_start3A_200] : memref<25600x128x64xf32, #tpu.memory_space<hbm>> -> memref<5x128x64xf32, #tpu.memory_space<hbm>>
      tpu.enqueue_dma source(%arg7 : memref<5x128x64xf32, #tpu.memory_space<vmem>>) target(%dma_start3A_201 : memref<5x128x64xf32, #tpu.memory_space<hbm>>) target_semaphore(%arg11 : memref<!tpu.dma_semaphore, #tpu.memory_space<semaphore_mem>>)
      %mul3A_202 = arith.constant 2 : i32
      %mul3A_203 = arith.muli %mul3A_202, %scan3A_50 : i32
      %add3A_204 = arith.constant 1 : i32
      %add3A_205 = arith.addi %mul3A_203, %add3A_204 : i32
      %mul3A_206 = arith.constant 5 : i32
      %mul3A_207 = arith.muli %add3A_205, %mul3A_206 : i32
      %add3A_208 = arith.addi %mul3A_2, %mul3A_207 : i32
      %dma_wait3A_209 = arith.constant 0 : i32
      %dma_wait3A_210 = tpu.memref_slice %arg2[%mul3A_2, %dma_wait3A_209] : memref<25600x128xi32, #tpu.memory_space<hbm>> -> memref<5x128xi32, #tpu.memory_space<hbm>>
      %dma_wait3A_211 = arith.constant 0 : i32
      %dma_wait3A_212 = tpu.memref_slice %arg2[%mul3A_2, %dma_wait3A_211] : memref<25600x128xi32, #tpu.memory_space<hbm>> -> memref<5x128xi32, #tpu.memory_space<hbm>>
      tpu.wait_dma2 semaphore(%arg14 : memref<!tpu.dma_semaphore, #tpu.memory_space<semaphore_mem>>) src(%dma_wait3A_212 : memref<5x128xi32, #tpu.memory_space<hbm>>) dst(%arg6 : memref<5x128xi32, #tpu.memory_space<vmem>>)
      %dma_wait3A_213 = arith.constant 0 : i32
      %dma_wait3A_214 = arith.constant 0 : i32
      %dma_wait3A_215 = tpu.memref_slice %arg4[%mul3A_2, %dma_wait3A_213, %dma_wait3A_214] : memref<25600x128x64xf32, #tpu.memory_space<hbm>> -> memref<5x128x64xf32, #tpu.memory_space<hbm>>
      %dma_wait3A_216 = arith.constant 0 : i32
      %dma_wait3A_217 = arith.constant 0 : i32
      %dma_wait3A_218 = tpu.memref_slice %arg4[%mul3A_2, %dma_wait3A_216, %dma_wait3A_217] : memref<25600x128x64xf32, #tpu.memory_space<hbm>> -> memref<5x128x64xf32, #tpu.memory_space<hbm>>
      tpu.wait_dma2 semaphore(%arg12 : memref<!tpu.dma_semaphore, #tpu.memory_space<semaphore_mem>>) src(%dma_wait3A_218 : memref<5x128x64xf32, #tpu.memory_space<hbm>>) dst(%arg8 : memref<5x128x64xf32, #tpu.memory_space<vmem>>)
      %dma_start3A_219 = arith.constant 0 : i32
      %dma_start3A_220 = arith.constant 0 : i32
      %dma_start3A_221 = arith.constant 0 : i32
      %dma_start3A_222 = arith.constant 0 : i32
      %dma_start3A_223 = tpu.memref_slice %arg8[%dma_start3A_220, %dma_start3A_221, %dma_start3A_222] : memref<5x128x64xf32, #tpu.memory_space<vmem>> -> memref<1x128x64xf32, #tpu.memory_space<vmem>>
      %dma_start3A_224 = tpu.memref_squeeze %dma_start3A_223 : memref<1x128x64xf32, #tpu.memory_space<vmem>> -> memref<128x64xf32, #tpu.memory_space<vmem>>
      %dma_start3A_225 = arith.constant 0 : i32
      %dma_start3A_226 = tpu.memref_slice %arg6[%dma_start3A_219, %dma_start3A_225] : memref<5x128xi32, #tpu.memory_space<vmem>> -> memref<1x128xi32, #tpu.memory_space<vmem>>
      %dma_start3A_227 = tpu.memref_squeeze %dma_start3A_226 : memref<1x128xi32, #tpu.memory_space<vmem>> -> memref<128xi32, #tpu.memory_space<vmem>>
      %dma_start3A_228 = arith.constant 0 : i32
      %dma_start3A_229 = arith.constant 0 : i32
      %dma_start3A_230 = tpu.memref_slice %arg9[%dma_start3A_228, %dma_start3A_229] : memref<65x64xf32, #tpu.memory_space<vmem_shared>> -> memref<65x64xf32, #tpu.memory_space<vmem_shared>>
      tpu.enqueue_indirect_dma source(%dma_start3A_230 : memref<65x64xf32, #tpu.memory_space<vmem_shared>>) target(%dma_start3A_224 : memref<128x64xf32, #tpu.memory_space<vmem>>) offsets(%dma_start3A_227 : memref<128xi32, #tpu.memory_space<vmem>>) semaphore(%arg10 : memref<!tpu.dma_semaphore, #tpu.memory_space<semaphore_mem>>)
      %dma_start3A_231 = arith.constant 1 : i32
      %dma_start3A_232 = arith.constant 1 : i32
      %dma_start3A_233 = arith.constant 0 : i32
      %dma_start3A_234 = arith.constant 0 : i32
      %dma_start3A_235 = tpu.memref_slice %arg8[%dma_start3A_232, %dma_start3A_233, %dma_start3A_234] : memref<5x128x64xf32, #tpu.memory_space<vmem>> -> memref<1x128x64xf32, #tpu.memory_space<vmem>>
      %dma_start3A_236 = tpu.memref_squeeze %dma_start3A_235 : memref<1x128x64xf32, #tpu.memory_space<vmem>> -> memref<128x64xf32, #tpu.memory_space<vmem>>
      %dma_start3A_237 = arith.constant 0 : i32
      %dma_start3A_238 = tpu.memref_slice %arg6[%dma_start3A_231, %dma_start3A_237] : memref<5x128xi32, #tpu.memory_space<vmem>> -> memref<1x128xi32, #tpu.memory_space<vmem>>
      %dma_start3A_239 = tpu.memref_squeeze %dma_start3A_238 : memref<1x128xi32, #tpu.memory_space<vmem>> -> memref<128xi32, #tpu.memory_space<vmem>>
      %dma_start3A_240 = arith.constant 0 : i32
      %dma_start3A_241 = arith.constant 0 : i32
      %dma_start3A_242 = tpu.memref_slice %arg9[%dma_start3A_240, %dma_start3A_241] : memref<65x64xf32, #tpu.memory_space<vmem_shared>> -> memref<65x64xf32, #tpu.memory_space<vmem_shared>>
      tpu.enqueue_indirect_dma source(%dma_start3A_242 : memref<65x64xf32, #tpu.memory_space<vmem_shared>>) target(%dma_start3A_236 : memref<128x64xf32, #tpu.memory_space<vmem>>) offsets(%dma_start3A_239 : memref<128xi32, #tpu.memory_space<vmem>>) semaphore(%arg10 : memref<!tpu.dma_semaphore, #tpu.memory_space<semaphore_mem>>)
      %dma_start3A_243 = arith.constant 2 : i32
      %dma_start3A_244 = arith.constant 2 : i32
      %dma_start3A_245 = arith.constant 0 : i32
      %dma_start3A_246 = arith.constant 0 : i32
      %dma_start3A_247 = tpu.memref_slice %arg8[%dma_start3A_244, %dma_start3A_245, %dma_start3A_246] : memref<5x128x64xf32, #tpu.memory_space<vmem>> -> memref<1x128x64xf32, #tpu.memory_space<vmem>>
      %dma_start3A_248 = tpu.memref_squeeze %dma_start3A_247 : memref<1x128x64xf32, #tpu.memory_space<vmem>> -> memref<128x64xf32, #tpu.memory_space<vmem>>
      %dma_start3A_249 = arith.constant 0 : i32
      %dma_start3A_250 = tpu.memref_slice %arg6[%dma_start3A_243, %dma_start3A_249] : memref<5x128xi32, #tpu.memory_space<vmem>> -> memref<1x128xi32, #tpu.memory_space<vmem>>
      %dma_start3A_251 = tpu.memref_squeeze %dma_start3A_250 : memref<1x128xi32, #tpu.memory_space<vmem>> -> memref<128xi32, #tpu.memory_space<vmem>>
      %dma_start3A_252 = arith.constant 0 : i32
      %dma_start3A_253 = arith.constant 0 : i32
      %dma_start3A_254 = tpu.memref_slice %arg9[%dma_start3A_252, %dma_start3A_253] : memref<65x64xf32, #tpu.memory_space<vmem_shared>> -> memref<65x64xf32, #tpu.memory_space<vmem_shared>>
      tpu.enqueue_indirect_dma source(%dma_start3A_254 : memref<65x64xf32, #tpu.memory_space<vmem_shared>>) target(%dma_start3A_248 : memref<128x64xf32, #tpu.memory_space<vmem>>) offsets(%dma_start3A_251 : memref<128xi32, #tpu.memory_space<vmem>>) semaphore(%arg10 : memref<!tpu.dma_semaphore, #tpu.memory_space<semaphore_mem>>)
      %dma_start3A_255 = arith.constant 3 : i32
      %dma_start3A_256 = arith.constant 3 : i32
      %dma_start3A_257 = arith.constant 0 : i32
      %dma_start3A_258 = arith.constant 0 : i32
      %dma_start3A_259 = tpu.memref_slice %arg8[%dma_start3A_256, %dma_start3A_257, %dma_start3A_258] : memref<5x128x64xf32, #tpu.memory_space<vmem>> -> memref<1x128x64xf32, #tpu.memory_space<vmem>>
      %dma_start3A_260 = tpu.memref_squeeze %dma_start3A_259 : memref<1x128x64xf32, #tpu.memory_space<vmem>> -> memref<128x64xf32, #tpu.memory_space<vmem>>
      %dma_start3A_261 = arith.constant 0 : i32
      %dma_start3A_262 = tpu.memref_slice %arg6[%dma_start3A_255, %dma_start3A_261] : memref<5x128xi32, #tpu.memory_space<vmem>> -> memref<1x128xi32, #tpu.memory_space<vmem>>
      %dma_start3A_263 = tpu.memref_squeeze %dma_start3A_262 : memref<1x128xi32, #tpu.memory_space<vmem>> -> memref<128xi32, #tpu.memory_space<vmem>>
      %dma_start3A_264 = arith.constant 0 : i32
      %dma_start3A_265 = arith.constant 0 : i32
      %dma_start3A_266 = tpu.memref_slice %arg9[%dma_start3A_264, %dma_start3A_265] : memref<65x64xf32, #tpu.memory_space<vmem_shared>> -> memref<65x64xf32, #tpu.memory_space<vmem_shared>>
      tpu.enqueue_indirect_dma source(%dma_start3A_266 : memref<65x64xf32, #tpu.memory_space<vmem_shared>>) target(%dma_start3A_260 : memref<128x64xf32, #tpu.memory_space<vmem>>) offsets(%dma_start3A_263 : memref<128xi32, #tpu.memory_space<vmem>>) semaphore(%arg10 : memref<!tpu.dma_semaphore, #tpu.memory_space<semaphore_mem>>)
      %dma_start3A_267 = arith.constant 4 : i32
      %dma_start3A_268 = arith.constant 4 : i32
      %dma_start3A_269 = arith.constant 0 : i32
      %dma_start3A_270 = arith.constant 0 : i32
      %dma_start3A_271 = tpu.memref_slice %arg8[%dma_start3A_268, %dma_start3A_269, %dma_start3A_270] : memref<5x128x64xf32, #tpu.memory_space<vmem>> -> memref<1x128x64xf32, #tpu.memory_space<vmem>>
      %dma_start3A_272 = tpu.memref_squeeze %dma_start3A_271 : memref<1x128x64xf32, #tpu.memory_space<vmem>> -> memref<128x64xf32, #tpu.memory_space<vmem>>
      %dma_start3A_273 = arith.constant 0 : i32
      %dma_start3A_274 = tpu.memref_slice %arg6[%dma_start3A_267, %dma_start3A_273] : memref<5x128xi32, #tpu.memory_space<vmem>> -> memref<1x128xi32, #tpu.memory_space<vmem>>
      %dma_start3A_275 = tpu.memref_squeeze %dma_start3A_274 : memref<1x128xi32, #tpu.memory_space<vmem>> -> memref<128xi32, #tpu.memory_space<vmem>>
      %dma_start3A_276 = arith.constant 0 : i32
      %dma_start3A_277 = arith.constant 0 : i32
      %dma_start3A_278 = tpu.memref_slice %arg9[%dma_start3A_276, %dma_start3A_277] : memref<65x64xf32, #tpu.memory_space<vmem_shared>> -> memref<65x64xf32, #tpu.memory_space<vmem_shared>>
      tpu.enqueue_indirect_dma source(%dma_start3A_278 : memref<65x64xf32, #tpu.memory_space<vmem_shared>>) target(%dma_start3A_272 : memref<128x64xf32, #tpu.memory_space<vmem>>) offsets(%dma_start3A_275 : memref<128xi32, #tpu.memory_space<vmem>>) semaphore(%arg10 : memref<!tpu.dma_semaphore, #tpu.memory_space<semaphore_mem>>)
      %dma_wait3A_279 = arith.constant 0 : i32
      %dma_wait3A_280 = arith.constant 0 : i32
      %dma_wait3A_281 = arith.constant 0 : i32
      %dma_wait3A_282 = arith.constant 0 : i32
      %dma_wait3A_283 = tpu.memref_slice %arg8[%dma_wait3A_280, %dma_wait3A_281, %dma_wait3A_282] : memref<5x128x64xf32, #tpu.memory_space<vmem>> -> memref<1x128x64xf32, #tpu.memory_space<vmem>>
      %dma_wait3A_284 = tpu.memref_squeeze %dma_wait3A_283 : memref<1x128x64xf32, #tpu.memory_space<vmem>> -> memref<128x64xf32, #tpu.memory_space<vmem>>
      %dma_wait3A_285 = arith.constant 0 : i32
      %dma_wait3A_286 = tpu.memref_slice %arg6[%dma_wait3A_279, %dma_wait3A_285] : memref<5x128xi32, #tpu.memory_space<vmem>> -> memref<1x128xi32, #tpu.memory_space<vmem>>
      %dma_wait3A_287 = tpu.memref_squeeze %dma_wait3A_286 : memref<1x128xi32, #tpu.memory_space<vmem>> -> memref<128xi32, #tpu.memory_space<vmem>>
      %dma_wait3A_288 = arith.constant 0 : i32
      %dma_wait3A_289 = arith.constant 0 : i32
      %dma_wait3A_290 = tpu.memref_slice %arg9[%dma_wait3A_288, %dma_wait3A_289] : memref<65x64xf32, #tpu.memory_space<vmem_shared>> -> memref<65x64xf32, #tpu.memory_space<vmem_shared>>
      tpu.wait_indirect_dma semaphore(%arg10 : memref<!tpu.dma_semaphore, #tpu.memory_space<semaphore_mem>>) src(%dma_wait3A_290 : memref<65x64xf32, #tpu.memory_space<vmem_shared>>) dst(%dma_wait3A_284 : memref<128x64xf32, #tpu.memory_space<vmem>>)
      %dma_wait3A_291 = arith.constant 1 : i32
      %dma_wait3A_292 = arith.constant 1 : i32
      %dma_wait3A_293 = arith.constant 0 : i32
      %dma_wait3A_294 = arith.constant 0 : i32
      %dma_wait3A_295 = tpu.memref_slice %arg8[%dma_wait3A_292, %dma_wait3A_293, %dma_wait3A_294] : memref<5x128x64xf32, #tpu.memory_space<vmem>> -> memref<1x128x64xf32, #tpu.memory_space<vmem>>
      %dma_wait3A_296 = tpu.memref_squeeze %dma_wait3A_295 : memref<1x128x64xf32, #tpu.memory_space<vmem>> -> memref<128x64xf32, #tpu.memory_space<vmem>>
      %dma_wait3A_297 = arith.constant 0 : i32
      %dma_wait3A_298 = tpu.memref_slice %arg6[%dma_wait3A_291, %dma_wait3A_297] : memref<5x128xi32, #tpu.memory_space<vmem>> -> memref<1x128xi32, #tpu.memory_space<vmem>>
      %dma_wait3A_299 = tpu.memref_squeeze %dma_wait3A_298 : memref<1x128xi32, #tpu.memory_space<vmem>> -> memref<128xi32, #tpu.memory_space<vmem>>
      %dma_wait3A_300 = arith.constant 0 : i32
      %dma_wait3A_301 = arith.constant 0 : i32
      %dma_wait3A_302 = tpu.memref_slice %arg9[%dma_wait3A_300, %dma_wait3A_301] : memref<65x64xf32, #tpu.memory_space<vmem_shared>> -> memref<65x64xf32, #tpu.memory_space<vmem_shared>>
      tpu.wait_indirect_dma semaphore(%arg10 : memref<!tpu.dma_semaphore, #tpu.memory_space<semaphore_mem>>) src(%dma_wait3A_302 : memref<65x64xf32, #tpu.memory_space<vmem_shared>>) dst(%dma_wait3A_296 : memref<128x64xf32, #tpu.memory_space<vmem>>)
      %dma_wait3A_303 = arith.constant 2 : i32
      %dma_wait3A_304 = arith.constant 2 : i32
      %dma_wait3A_305 = arith.constant 0 : i32
      %dma_wait3A_306 = arith.constant 0 : i32
      %dma_wait3A_307 = tpu.memref_slice %arg8[%dma_wait3A_304, %dma_wait3A_305, %dma_wait3A_306] : memref<5x128x64xf32, #tpu.memory_space<vmem>> -> memref<1x128x64xf32, #tpu.memory_space<vmem>>
      %dma_wait3A_308 = tpu.memref_squeeze %dma_wait3A_307 : memref<1x128x64xf32, #tpu.memory_space<vmem>> -> memref<128x64xf32, #tpu.memory_space<vmem>>
      %dma_wait3A_309 = arith.constant 0 : i32
      %dma_wait3A_310 = tpu.memref_slice %arg6[%dma_wait3A_303, %dma_wait3A_309] : memref<5x128xi32, #tpu.memory_space<vmem>> -> memref<1x128xi32, #tpu.memory_space<vmem>>
      %dma_wait3A_311 = tpu.memref_squeeze %dma_wait3A_310 : memref<1x128xi32, #tpu.memory_space<vmem>> -> memref<128xi32, #tpu.memory_space<vmem>>
      %dma_wait3A_312 = arith.constant 0 : i32
      %dma_wait3A_313 = arith.constant 0 : i32
      %dma_wait3A_314 = tpu.memref_slice %arg9[%dma_wait3A_312, %dma_wait3A_313] : memref<65x64xf32, #tpu.memory_space<vmem_shared>> -> memref<65x64xf32, #tpu.memory_space<vmem_shared>>
      tpu.wait_indirect_dma semaphore(%arg10 : memref<!tpu.dma_semaphore, #tpu.memory_space<semaphore_mem>>) src(%dma_wait3A_314 : memref<65x64xf32, #tpu.memory_space<vmem_shared>>) dst(%dma_wait3A_308 : memref<128x64xf32, #tpu.memory_space<vmem>>)
      %dma_wait3A_315 = arith.constant 3 : i32
      %dma_wait3A_316 = arith.constant 3 : i32
      %dma_wait3A_317 = arith.constant 0 : i32
      %dma_wait3A_318 = arith.constant 0 : i32
      %dma_wait3A_319 = tpu.memref_slice %arg8[%dma_wait3A_316, %dma_wait3A_317, %dma_wait3A_318] : memref<5x128x64xf32, #tpu.memory_space<vmem>> -> memref<1x128x64xf32, #tpu.memory_space<vmem>>
      %dma_wait3A_320 = tpu.memref_squeeze %dma_wait3A_319 : memref<1x128x64xf32, #tpu.memory_space<vmem>> -> memref<128x64xf32, #tpu.memory_space<vmem>>
      %dma_wait3A_321 = arith.constant 0 : i32
      %dma_wait3A_322 = tpu.memref_slice %arg6[%dma_wait3A_315, %dma_wait3A_321] : memref<5x128xi32, #tpu.memory_space<vmem>> -> memref<1x128xi32, #tpu.memory_space<vmem>>
      %dma_wait3A_323 = tpu.memref_squeeze %dma_wait3A_322 : memref<1x128xi32, #tpu.memory_space<vmem>> -> memref<128xi32, #tpu.memory_space<vmem>>
      %dma_wait3A_324 = arith.constant 0 : i32
      %dma_wait3A_325 = arith.constant 0 : i32
      %dma_wait3A_326 = tpu.memref_slice %arg9[%dma_wait3A_324, %dma_wait3A_325] : memref<65x64xf32, #tpu.memory_space<vmem_shared>> -> memref<65x64xf32, #tpu.memory_space<vmem_shared>>
      tpu.wait_indirect_dma semaphore(%arg10 : memref<!tpu.dma_semaphore, #tpu.memory_space<semaphore_mem>>) src(%dma_wait3A_326 : memref<65x64xf32, #tpu.memory_space<vmem_shared>>) dst(%dma_wait3A_320 : memref<128x64xf32, #tpu.memory_space<vmem>>)
      %dma_wait3A_327 = arith.constant 4 : i32
      %dma_wait3A_328 = arith.constant 4 : i32
      %dma_wait3A_329 = arith.constant 0 : i32
      %dma_wait3A_330 = arith.constant 0 : i32
      %dma_wait3A_331 = tpu.memref_slice %arg8[%dma_wait3A_328, %dma_wait3A_329, %dma_wait3A_330] : memref<5x128x64xf32, #tpu.memory_space<vmem>> -> memref<1x128x64xf32, #tpu.memory_space<vmem>>
      %dma_wait3A_332 = tpu.memref_squeeze %dma_wait3A_331 : memref<1x128x64xf32, #tpu.memory_space<vmem>> -> memref<128x64xf32, #tpu.memory_space<vmem>>
      %dma_wait3A_333 = arith.constant 0 : i32
      %dma_wait3A_334 = tpu.memref_slice %arg6[%dma_wait3A_327, %dma_wait3A_333] : memref<5x128xi32, #tpu.memory_space<vmem>> -> memref<1x128xi32, #tpu.memory_space<vmem>>
      %dma_wait3A_335 = tpu.memref_squeeze %dma_wait3A_334 : memref<1x128xi32, #tpu.memory_space<vmem>> -> memref<128xi32, #tpu.memory_space<vmem>>
      %dma_wait3A_336 = arith.constant 0 : i32
      %dma_wait3A_337 = arith.constant 0 : i32
      %dma_wait3A_338 = tpu.memref_slice %arg9[%dma_wait3A_336, %dma_wait3A_337] : memref<65x64xf32, #tpu.memory_space<vmem_shared>> -> memref<65x64xf32, #tpu.memory_space<vmem_shared>>
      tpu.wait_indirect_dma semaphore(%arg10 : memref<!tpu.dma_semaphore, #tpu.memory_space<semaphore_mem>>) src(%dma_wait3A_338 : memref<65x64xf32, #tpu.memory_space<vmem_shared>>) dst(%dma_wait3A_332 : memref<128x64xf32, #tpu.memory_space<vmem>>)
      %add3A_339 = arith.constant 2 : i32
      %add3A_340 = arith.addi %add3A_205, %add3A_339 : i32
      %min3A_341 = arith.constant 159 : i32
      %min3A_342 = arith.minsi %add3A_340, %min3A_341 : i32
      %mul3A_343 = arith.constant 5 : i32
      %mul3A_344 = arith.muli %min3A_342, %mul3A_343 : i32
      %add3A_345 = arith.addi %mul3A_2, %mul3A_344 : i32
      %dma_start3A_346 = arith.constant 0 : i32
      %dma_start3A_347 = tpu.memref_slice %arg2[%add3A_345, %dma_start3A_346] : memref<25600x128xi32, #tpu.memory_space<hbm>> -> memref<5x128xi32, #tpu.memory_space<hbm>>
      %dma_start3A_348 = arith.constant 0 : i32
      %dma_start3A_349 = tpu.memref_slice %arg2[%add3A_345, %dma_start3A_348] : memref<25600x128xi32, #tpu.memory_space<hbm>> -> memref<5x128xi32, #tpu.memory_space<hbm>>
      tpu.enqueue_dma source(%dma_start3A_349 : memref<5x128xi32, #tpu.memory_space<hbm>>) target(%arg6 : memref<5x128xi32, #tpu.memory_space<vmem>>) target_semaphore(%arg14 : memref<!tpu.dma_semaphore, #tpu.memory_space<semaphore_mem>>)
      %dma_start3A_350 = arith.constant 0 : i32
      %dma_start3A_351 = arith.constant 0 : i32
      %dma_start3A_352 = tpu.memref_slice %arg4[%add3A_208, %dma_start3A_350, %dma_start3A_351] : memref<25600x128x64xf32, #tpu.memory_space<hbm>> -> memref<5x128x64xf32, #tpu.memory_space<hbm>>
      %dma_start3A_353 = arith.constant 0 : i32
      %dma_start3A_354 = arith.constant 0 : i32
      %dma_start3A_355 = tpu.memref_slice %arg4[%add3A_208, %dma_start3A_353, %dma_start3A_354] : memref<25600x128x64xf32, #tpu.memory_space<hbm>> -> memref<5x128x64xf32, #tpu.memory_space<hbm>>
      tpu.enqueue_dma source(%arg8 : memref<5x128x64xf32, #tpu.memory_space<vmem>>) target(%dma_start3A_355 : memref<5x128x64xf32, #tpu.memory_space<hbm>>) target_semaphore(%arg12 : memref<!tpu.dma_semaphore, #tpu.memory_space<semaphore_mem>>)
    }
    %scan3A_30 = arith.constant 80 : i32
    %dma_wait3A = arith.constant 0 : i32
    %dma_wait3A_31 = arith.constant 0 : i32
    %dma_wait3A_32 = tpu.memref_slice %arg4[%mul3A_2, %dma_wait3A, %dma_wait3A_31] : memref<25600x128x64xf32, #tpu.memory_space<hbm>> -> memref<5x128x64xf32, #tpu.memory_space<hbm>>
    %dma_wait3A_33 = arith.constant 0 : i32
    %dma_wait3A_34 = arith.constant 0 : i32
    %dma_wait3A_35 = tpu.memref_slice %arg4[%mul3A_2, %dma_wait3A_33, %dma_wait3A_34] : memref<25600x128x64xf32, #tpu.memory_space<hbm>> -> memref<5x128x64xf32, #tpu.memory_space<hbm>>
    tpu.wait_dma2 semaphore(%arg11 : memref<!tpu.dma_semaphore, #tpu.memory_space<semaphore_mem>>) src(%dma_wait3A_35 : memref<5x128x64xf32, #tpu.memory_space<hbm>>) dst(%arg7 : memref<5x128x64xf32, #tpu.memory_space<vmem>>)
    %dma_wait3A_36 = arith.constant 0 : i32
    %dma_wait3A_37 = arith.constant 0 : i32
    %dma_wait3A_38 = tpu.memref_slice %arg4[%mul3A_2, %dma_wait3A_36, %dma_wait3A_37] : memref<25600x128x64xf32, #tpu.memory_space<hbm>> -> memref<5x128x64xf32, #tpu.memory_space<hbm>>
    %dma_wait3A_39 = arith.constant 0 : i32
    %dma_wait3A_40 = arith.constant 0 : i32
    %dma_wait3A_41 = tpu.memref_slice %arg4[%mul3A_2, %dma_wait3A_39, %dma_wait3A_40] : memref<25600x128x64xf32, #tpu.memory_space<hbm>> -> memref<5x128x64xf32, #tpu.memory_space<hbm>>
    tpu.wait_dma2 semaphore(%arg12 : memref<!tpu.dma_semaphore, #tpu.memory_space<semaphore_mem>>) src(%dma_wait3A_41 : memref<5x128x64xf32, #tpu.memory_space<hbm>>) dst(%arg8 : memref<5x128x64xf32, #tpu.memory_space<vmem>>)
    %dma_wait3A_42 = arith.constant 0 : i32
    %dma_wait3A_43 = tpu.memref_slice %arg2[%mul3A_2, %dma_wait3A_42] : memref<25600x128xi32, #tpu.memory_space<hbm>> -> memref<5x128xi32, #tpu.memory_space<hbm>>
    %dma_wait3A_44 = arith.constant 0 : i32
    %dma_wait3A_45 = tpu.memref_slice %arg2[%mul3A_2, %dma_wait3A_44] : memref<25600x128xi32, #tpu.memory_space<hbm>> -> memref<5x128xi32, #tpu.memory_space<hbm>>
    tpu.wait_dma2 semaphore(%arg13 : memref<!tpu.dma_semaphore, #tpu.memory_space<semaphore_mem>>) src(%dma_wait3A_45 : memref<5x128xi32, #tpu.memory_space<hbm>>) dst(%arg5 : memref<5x128xi32, #tpu.memory_space<vmem>>)
    %dma_wait3A_46 = arith.constant 0 : i32
    %dma_wait3A_47 = tpu.memref_slice %arg2[%mul3A_2, %dma_wait3A_46] : memref<25600x128xi32, #tpu.memory_space<hbm>> -> memref<5x128xi32, #tpu.memory_space<hbm>>
    %dma_wait3A_48 = arith.constant 0 : i32
    %dma_wait3A_49 = tpu.memref_slice %arg2[%mul3A_2, %dma_wait3A_48] : memref<25600x128xi32, #tpu.memory_space<hbm>> -> memref<5x128xi32, #tpu.memory_space<hbm>>
    tpu.wait_dma2 semaphore(%arg14 : memref<!tpu.dma_semaphore, #tpu.memory_space<semaphore_mem>>) src(%dma_wait3A_49 : memref<5x128xi32, #tpu.memory_space<hbm>>) dst(%arg6 : memref<5x128xi32, #tpu.memory_space<vmem>>)
    return
  }
}

</mosaic_0001>

<sc_bundles>
// kernel: kernel.3.cloned.1.call-start
scs
__scs_entry_jumppad:
0x0: {  	(pc) =	sbr.rel $0x88, $3  }
0x1: {  	(tag) =	ssettag $0x0;
	lr =	simm.s32 $0x1  }
0x2: {  	[smem:$0x3F9F] =	sst lr;
	_ =	strace $0xD0000000  }
0x3: {  	_ = 	snop  }
0x4: {  	_ = 	snop  }
0x5: {  	_ = 	snop  }
0x6: {  	_ = 	snop  }
0x7: {  	_ = 	snop  }
__scs_overlays_trampoline_lowered:
0x8: {  	[smem:$0x3FAE] =	sst s0  }
0x9: {  	[smem:$0x3FAF] =	sst s1  }
0xa: {  	[smem:$0x3FB0] =	sst s2  }
0xb: {  	[smem:$0x3FB1] =	sst s3  }
0xc: {  	[smem:$0x3FB2] =	sst s4  }
0xd: {  	[smem:$0x3FB3] =	sst s5  }
0xe: {  	[smem:$0x3FB4] =	sst s6  }
0xf: {  	[smem:$0x3FB5] =	sst s7  }
0x10: {  	[smem:$0x3FB6] =	sst s8  }
0x11: {  	[smem:$0x3FB7] =	sst s9;
	s0 =	simm.s32 @!p0 $0x0  }
0x12: {  	s1 =	sld [smem:$0x3F9D];
	s0 =	simm.s32 @p0 $0x1  }
0x13: {  	[smem:$0x3FB8] =	sst s0;
	s0 =	simm.s32 @!p1 $0x0  }
0x14: {  	s2 =	sld [smem:$0x3F9C];
	s0 =	simm.s32 @p1 $0x1  }
0x15: {  	[smem:$0x3FB9] =	sst s0;
	s0 =	simm.s32 @!p2 $0x0  }
0x16: {  	s3 =	sld [smem:$0x3FDB];
	s0 =	simm.s32 @p2 $0x1  }
0x17: {  	s4 =	simm.s32 $0x1BF5;
	[smem:$0x3FBB] =	sst s0  }
0x18: {  	s0 =	sld [smem:$0x3F9E];
	_ =	swait.ge [sflag:s4], $0x0  }
0x19: {  	s7 =	sld [smem:$0x3F9F]  }
0x1a: {  	s8 =	sadd.s32 $0xFFFFE003, lr  }
0x1b: {  	s9 =	sadd.s32 $0xFFFFFEF7, lr;
	s5 =	simm.s32 $0xFFFFFFFF;
	p2 =	slt.u32 s8, $0xFFFFF086  }
0x1c: {  	p1 =	slt.u32 s9, $0xF7A;
	s5 =	simm.s32 @!p2 $0x0  }
0x1d: {  	s5 =	simm.s32 @p1 $0x1;
	p0 =	seq.s32 s7, s2  }
0x1e: {  	s7 =	smul.u32 @!p0 $0xF7A, s2;
	p2 =	seq.s32 @!p0 s5, $0x0  }
0x1f: {  	s9 =	smul.u32 $0xF7A, s1;
	s8 =	simm.s32 @!p0 $0x1BF5;
	p2 =	por !p2, p0  }
0x20: {  	[sflag:s8] =	ssyncset.s32 @!p0 $0xFFFFF086;
	s6 =	sadd.s32 @!p0 s3, s7;
	s7 =	simm.s32 @!p0 $0x108  }
0x21: {  	s3 =	sadd.s32 s3, s9;
	s6 =	sadd.s32 @!p0 $0x88, s6;
	s7 =	simm.s32 @p2 $0x1082  }
0x22: {  	[simem:s7], [sflag:s8] =	dma.local @!p0 [hbm:s6], $0xF7A  }
0x23: {  	s9 =	sor.u32 $0xD0000000, s2;
	s6 =	simm.s32 $0x108;
	_ =	swait.ge @!p0 [sflag:s8], $0x0  }
0x24: {  	s3 =	sadd.s32 $0x88, s3;
	s6 =	simm.s32 @!p1 $0x1082;
	[sflag:s4] =	ssyncset.s32 $0xFFFFF086  }
0x25: {  	[simem:s6], [sflag:s4] =	dma.local [hbm:s3], $0xF7A  }
0x26: {  	[smem:$0x3F9F] =	sst s1;
	(tag) =	ssettag s2;
	_ =	strace s9  }
0x27: {  	s1 =	sld [smem:$0x3FAF]  }
0x28: {  	s2 =	sld [smem:$0x3FB0]  }
0x29: {  	s4 =	sld [smem:$0x3FB2]  }
0x2a: {  	p0 =	seq.s32 s5, $0x0;
	s5 =	sld [smem:$0x3FB3]  }
0x2b: {  	s6 =	sld [smem:$0x3FB4]  }
0x2c: {  	s7 =	sld [smem:$0x3FB5]  }
0x2d: {  	s3 =	simm.s32 $0x108;
	s8 =	sld [smem:$0x3FB6]  }
0x2e: {  	s3 =	simm.s32 @!p0 $0x1082;
	s9 =	sld [smem:$0x3FB7]  }
0x2f: {  	lr =	sadd.s32 s0, s3;
	s0 =	sld [smem:$0x3FAE]  }
0x30: {  	s3 =	sld [smem:$0x3FB1]  }
0x31: {  	[smem:$0x3FBA] =	sst s10  }
0x32: {  	s10 =	sld [smem:$0x3FB8];
	_ =	sdelay $0x3  }
0x33: {  	p0 =	seq.s32 s10, $0x1;
	s10 =	sld [smem:$0x3FBA];
	_ =	sdelay $0x3  }
0x34: {  	[smem:$0x3FBA] =	sst s10  }
0x35: {  	s10 =	sld [smem:$0x3FB9];
	_ =	sdelay $0x3  }
0x36: {  	p1 =	seq.s32 s10, $0x1;
	s10 =	sld [smem:$0x3FBA];
	_ =	sdelay $0x3  }
0x37: {  	[smem:$0x3FBA] =	sst s10  }
0x38: {  	s10 =	sld [smem:$0x3FBB]  }
0x39: {  	_ = 	snop;
	(pc) =	sbr.ind lr, $3  }
0x3a: {  	_ = 	snop  }
0x3b: {  	_ = 	snop  }
0x3c: {  	p2 =	seq.s32 s10, $0x1;
	s10 =	sld [smem:$0x3FBA]  }
0x3d: {  	_ =	shalt  }
0x3e: {  	_ =	shalt  }
0x3f: {  	_ =	shalt  }
0x40: {  	_ =	shalt  }
0x41: {  	_ =	shalt  }
0x42: {  	_ =	shalt  }
0x43: {  	_ =	shalt  }
0x44: {  	_ =	shalt  }
0x45: {  	_ =	shalt  }
0x46: {  	_ =	shalt  }
0x47: {  	_ =	shalt  }
0x48: {  	_ =	shalt  }
0x49: {  	_ =	shalt  }
0x4a: {  	_ =	shalt  }
0x4b: {  	_ =	shalt  }
0x4c: {  	_ =	shalt  }
0x4d: {  	_ =	shalt  }
0x4e: {  	_ =	shalt  }
0x4f: {  	_ =	shalt  }
0x50: {  	_ =	shalt  }
0x51: {  	_ =	shalt  }
0x52: {  	_ =	shalt  }
0x53: {  	_ =	shalt  }
0x54: {  	_ =	shalt  }
0x55: {  	_ =	shalt  }
0x56: {  	_ =	shalt  }
0x57: {  	_ =	shalt  }
0x58: {  	_ =	shalt  }
0x59: {  	_ =	shalt  }
0x5a: {  	_ =	shalt  }
0x5b: {  	_ =	shalt  }
0x5c: {  	_ =	shalt  }
0x5d: {  	_ =	shalt  }
0x5e: {  	_ =	shalt  }
0x5f: {  	_ =	shalt  }
0x60: {  	_ =	shalt  }
0x61: {  	_ =	shalt  }
0x62: {  	_ =	shalt  }
0x63: {  	_ =	shalt  }
0x64: {  	_ =	shalt  }
0x65: {  	_ =	shalt  }
0x66: {  	_ =	shalt  }
0x67: {  	_ =	shalt  }
0x68: {  	_ =	shalt  }
0x69: {  	_ =	shalt  }
0x6a: {  	_ =	shalt  }
0x6b: {  	_ =	shalt  }
0x6c: {  	_ =	shalt  }
0x6d: {  	_ =	shalt  }
0x6e: {  	_ =	shalt  }
0x6f: {  	_ =	shalt  }
0x70: {  	_ =	shalt  }
0x71: {  	_ =	shalt  }
0x72: {  	_ =	shalt  }
0x73: {  	_ =	shalt  }
0x74: {  	_ =	shalt  }
0x75: {  	_ =	shalt  }
0x76: {  	_ =	shalt  }
0x77: {  	_ =	shalt  }
0x78: {  	_ =	shalt  }
0x79: {  	_ =	shalt  }
0x7a: {  	_ =	shalt  }
0x7b: {  	_ =	shalt  }
0x7c: {  	_ =	shalt  }
0x7d: {  	_ =	shalt  }
0x7e: {  	_ =	shalt  }
0x7f: {  	_ =	shalt  }
0x80: {  	_ =	shalt  }
0x81: {  	_ =	shalt  }
0x82: {  	_ =	shalt  }
0x83: {  	_ =	shalt  }
0x84: {  	_ =	shalt  }
0x85: {  	_ =	shalt  }
0x86: {  	_ =	shalt  }
0x87: {  	_ =	shalt  }
.Lfunc_end0:
.L_simem_size_0:
called_computation.1_lowered:
.L_overlay_start_0:
0x88: {  	s2 =	sld [smem:$0x3FD9]  }
0x89: {  	s3 =	sld [smem:$0x3FFE];
	_ =	sdelay $0x1  }
0x8a: {  	s1 =	srdreg.scid  }
0x8b: {  	s0 =	sand.u32 $0x1, s1  }
0x8c: {  	s17 =	sshll.u32 s0, $0xA;
	s2 =	sadd.s32 s3, s2  }
0x8d: {  	s2 =	sadd.s32 s2, s17  }
0x8e: {  	[smem:$0x3FC6] =	sst s2  }
0x8f: {  	_ = 	snop  }
0x90: {  	s2 =	sld [smem:$0x3FD0];
	(tm) =	ssettm $0x1  }
0x91: {  	s18 =	sld [smem:$0x3FFB];
	_ =	sdelay $0x3  }
0x92: {  	_ =	strace s18  }
0x93: {  	s3 =	sld [smem:$0x3FFC];
	_ =	sdelay $0x3  }
0x94: {  	_ =	strace s3  }
0x95: {  	s3 =	sld [smem:$0x3FFD];
	_ =	sdelay $0x3  }
0x96: {  	_ =	strace s3  }
0x97: {  	_ =	strace $0x8FFFFFFF  }
0x98: {  	s19 =	sld [smem:$0x3FDB];
	_ =	sdelay $0x1  }
0x99: {  	s4 =	simm.s32 $_scs_section_size  }
0x9a: {  	s5 =	simm.s32 $_size__tile_overlayer_lowered;
	s6 =	simm.s32 $_tile_overlayer_lowered  }
0x9b: {  	s22 =	simm.s32 $0x1BFF;
	s21 =	sshll.u32 s6, $0x1;
	s3 =	sadd.s32 s4, s19  }
0x9c: {  	s7 =	simm.s32 $0x0;
	s20 =	sshll.u32 s5, $0x1;
	s5 =	sadd.s32 s21, s3  }
0x9d: {  	[timem:s7], [sflag:s22] =	dma.local [hbm:s5], s20  }
0x9e: {  	_ =	swait.ge [sflag:s22], s20  }
0x9f: {  	s4 =	ssub.s32 $0x0, s20;
	[sflag:s22] =	ssyncset.done $0x0  }
0xa0: {  	[sflag:s22] =	ssyncadd.s32 s4;
	_ =	sdelay $0x1  }
0xa1: {  	s23 =	simm.s32 $0x1B8B  }
0xa2: {  	_ =	swait.ge [sflag:s23], $0x1  }
0xa3: {  	[sflag:s23] =	ssyncset.done $0x0  }
0xa4: {  	s25 =	simm.s32 $0x1B8E;
	s24 =	sld [smem:$0x3FFE];
	[sflag:s23] =	ssyncadd.s32 $0xFFFFFFFF  }
0xa5: {  	s26 =	simm.s32 $execute0_lowered;
	[smem:$0x3FD2] =	sst s25  }
0xa6: {  	s5 =	sshll.u32 s26, $0x1;
	_ =	strace $0x80000046;
	[dreg:$0x1] =	wrdreg $0xFFFFFFFF  }
0xa7: {  	s28 =	simm.s32 $_size_execute0_lowered;
	s3 =	sadd.s32 s3, s5;
	[dreg:$0x0] =	wrdreg $0x0  }
0xa8: {  	s5 =	sshll.u32 s28, $0x1;
	[dreg:$0x2] =	wrdreg s3  }
0xa9: {  	[dreg:$0x3] =	wrdreg s5  }
0xaa: {  	[dreg:$0x4] =	wrdreg $0xC0  }
0xab: {  	_ =	task [dreg:s7], $0x5FFFF  }
0xac: {  	[dreg:$0x1] =	wrdreg $0xFFFFFFFF  }
0xad: {  	[dreg:$0x0] =	wrdreg $0x60  }
0xae: {  	[dreg:$0x2] =	wrdreg s24  }
0xaf: {  	[dreg:$0x3] =	wrdreg s2  }
0xb0: {  	[dreg:$0x4] =	wrdreg $0x145000  }
0xb1: {  	[dreg:$0x5] =	wrdreg $0x9  }
0xb2: {  	_ =	task.clear_ibuf [dreg:s7], $0x6FFFF;
	_ =	strace $0x90000046  }
0xb3: {  	s29 =	simm.s32 $0x9;
	_ =	strace $0x80000048  }
0xb4: {  	_ =	swait.ge [sflag:s29], $0x1  }
0xb5: {  	[sflag:s29] =	ssyncadd.s32 $0xFFFFFFFF  }
0xb6: {  	_ =	strace $0x90000048  }
0xb7: {  	_ =	sfence  }
0xb8: {  	s30 =	sld [smem:$0x0];
	_ =	sdelay $0x2  }
0xb9: {  	s31 =	sshll.u32 s1, $0xD;
	s1 =	sshrl.u32 s1, $0x2  }
0xba: {  	s3 =	sand.u32 $0x4000, s31;
	s1 =	sadd.s32 s1, s30  }
0xbb: {  	s0 =	sor.u32 s3, s0;
	s1 =	sshll.u32 s1, $0x11  }
0xbc: {  	s0 =	sor.u32 s1, s0  }
0xbd: {  	s0 =	sadd.s32 $0x8F2B, s0  }
0xbe: {  	[sflag:s0] =	ssyncadd.remote.s32 $0x1  }
0xbf: {  	_ =	sfence.sel $0xFFFF  }
0xc0: {  	[dreg:$0x0] =	wrdreg $0xFFFFFFFF;
	(pc) =	sbr.abs _section_cstart, $3  }
0xc1: {  	[dreg:$0x1] =	wrdreg $0xFFFFFFFF  }
0xc2: {  	_ =	task.clear_ibuf [dreg:s7], $0x2FFFF;
	_ =	strace $0x9FFFFFFF  }
0xc3: {  	(tm) =	ssettm $0x7FFFFFFF  }
tec
execute0_lowered:
.L_overlay_start_1:
0x0: {  	(tag) =	ssettag $0x1  }
0x1: {  	s0 =	rddreg [dreg:$0x0]  }
0x2: {  	s9 =	rddreg [dreg:$0x1]  }
0x3: {  	s2 =	srdreg.scid;
	s11 =	stileid.u32  }
0x4: {  	s1 =	rddreg [dreg:$0x2];
	s8 =	sand.u32 $0x1, s2;
	s3 =	sshll.u32 s11, $0x1  }
0x5: {  	s21 =	simm.s32 $0x2500;
	s2 =	simm.s32 $0x0;
	s4 =	sor.u32 s8, s3  }
0x6: {  	[smem:$0x7FF] =	sst s2;
	s3 =	sadd.s32 $0xC00, s0;
	s0 =	sadd.s32 $0x800, s0  }
0x7: {  	s22 =	simm.s32 $0x100;
	_ =	strace $0x80000047;
	[dreg:$0x10] =	wrdreg s0  }
0x8: {  	s23 =	simm.s32 $0x4500;
	s24 =	simm.s32 $0x180;
	[dreg:$0x6] =	wrdreg s21  }
0x9: {  	s25 =	simm.s32 $0x6500;
	s26 =	simm.s32 $0x200;
	[dreg:$0x7] =	wrdreg s22  }
0xa: {  	s28 =	simm.s32 $0x8500;
	s13 =	smul.u32 $0x640, s11;
	[dreg:$0x8] =	wrdreg s23  }
0xb: {  	s29 =	simm.s32 $0x300;
	s16 =	smul.u32 $0x190000, s11;
	[dreg:$0x9] =	wrdreg s24  }
0xc: {  	s30 =	simm.s32 $0xC500;
	s15 =	smul.u32 $0x320, s8;
	[dreg:$0xa] =	wrdreg s25  }
0xd: {  	s31 =	simm.s32 $0x380;
	s18 =	smul.u32 $0xC8000, s8;
	[dreg:$0xb] =	wrdreg s26  }
0xe: {  	p0 =	sne.s32 s11, $0x0;
	s10 =	smul.u32 $0x320, s4;
	[dreg:$0xc] =	wrdreg s28  }
0xf: {  	s5 =	ssub.s32 $0x2, s8;
	s6 =	smul.u32 $0x3200, s4;
	[dreg:$0xd] =	wrdreg s29  }
0x10: {  	s7 =	sshrl.u32 s5, $0x1;
	s12 =	smul.u32 $0xC8000, s4;
	[dreg:$0xe] =	wrdreg s30  }
0x11: {  	s20 =	sadd.s32 s16, s9;
	s16 =	simm.s32 $0x2;
	[dreg:$0xf] =	wrdreg s31  }
0x12: {  	s21 =	simm.s32 $0xE500;
	s22 =	simm.s32 $0x400;
	s23 =	simm.s32 $0x10500  }
0x13: {  	s24 =	simm.s32 $0x480;
	s25 =	simm.s32 $0x12500;
	s26 =	simm.s32 $0x0  }
0x14: {  	s5 =	ssub.s32 s5, s7;
	s15 =	sadd.s32 s15, s13;
	s7 =	sadd.s32 s3, s6  }
0x15: {  	s13 =	simm.s32 $0x500;
	s14 =	sor.u32 $0xA, s10;
	[dreg:$0x11] =	wrdreg s7  }
0x16: {  	s10 =	sor.u32 $0xF, s10;
	s17 =	sshll.u32 s15, $0xA;
	[dreg:$0x4] =	wrdreg s14  }
0x17: {  	s0 =	smax.u32 s5, $0x1;
	s15 =	simm.s32 $0x4;
	[dreg:$0x5] =	wrdreg s10  }
0x18: {  	s4 =	sadd.s32 $0x50, s7;
	s7 =	sadd.s32 s9, s12;
	[dreg:$0x13] =	wrdreg s0  }
0x19: {  	s19 =	sadd.s32 s17, s9;
	s10 =	sadd.s32 s18, s20;
	s12 =	simm.s32 $0x280  }
0x1a: {  	s14 =	simm.s32 $0xA500;
	s17 =	simm.s32 $0x80;
	s18 =	simm.s32 $0x1  }
0x1b: {  	s20 =	simm.s32 $0x3;
	[dreg:$0x12] =	wrdreg s4;
	s4 =	sshrl.u32 @!p0 s1, $0x3  }
0x1c: {  	s9 =	sadd.s32 $0x1400, s19;
	s19 =	simm.s32 $0x5;
	[dreg:$0x14] =	wrdreg s4  }
.LBB2_1:
0x1d: {  	s4 =	rddreg [dreg:$0x10]  }
0x1e: {  	s0 =	simm.s32 @!p0 $0x1C06;
	s5 =	rddreg [dreg:$0x14]  }
0x1f: {  	[spmem:s5], [sflag:s0] =	dma.local @!p0 [hbm:s4], $0x208  }
0x20: {  	s0 =	simm.s32 @!p0 $0x6  }
0x21: {  	_ =	swait.ge @!p0 [sflag:s0], $0x208  }
0x22: {  	[sflag:s0] =	ssyncset.done @!p0 $0x0  }
0x23: {  	[sflag:s0] =	ssyncadd.s32 @!p0 $0xFFFFFDF8  }
0x24: {  	[bflag:$0x0] =	sbarrier.arrive $0xFFFF  }
0x25: {  	s11 =	rddreg [dreg:$0x11]  }
0x26: {  	[tilespmem:s2], [sflag:$0x4] =	stream.linear.gather [hbm4b:s11+s2], $0x280, $0x38;
	[tilespmem:$0x14608] =	vst v63  }
0x27: {  	s4 =	rddreg [dreg:$0x12]  }
0x28: {  	[tilespmem:s12], [sflag:$0x5] =	stream.linear.gather [hbm4b:s4+s2], $0x280, $0x38;
	[tilespmem:$0x14608] =	vst v63  }
0x29: {  	_ = 	snop  }
0x2a: {  	[tilespmem:s13], [sflag:$0x2] =	stream.linear.gather [hbm4b:s7+s2], $0xA000, $0x38;
	[tilespmem:$0x14608] =	vst v63  }
0x2b: {  	_ = 	snop  }
0x2c: {  	[tilespmem:s14], [sflag:$0x3] =	stream.linear.gather [hbm4b:s7+s2], $0xA000, $0x38;
	[tilespmem:$0x14608] =	vst v63  }
0x2d: {  	_ =	swait.ge [sflag:s15], $0x280  }
0x2e: {  	[sflag:s15] =	ssyncset.done $0x0  }
0x2f: {  	[sflag:s15] =	ssyncadd.s32 $0xFFFFFD80  }
0x30: {  	_ =	swait.ge [sflag:s16], $0xA000  }
0x31: {  	s5 =	rddreg [dreg:$0xc]  }
0x32: {  	s28 =	rddreg [dreg:$0x7];
	[sflag:s16] =	ssyncset.done $0x0  }
0x33: {  	s29 =	rddreg [dreg:$0x6];
	[sflag:s16] =	ssyncadd.s32 $0xFFFF6000  }
0x34: {  	[tilespmem:s13], [sflag:$0x1] =	stream.indirect.gather [spmem:s1], $0x40, s2, s17, $0xb8;
	[tilespmem:$0x14608] =	vst v63  }
0x35: {  	s30 =	rddreg [dreg:$0x8]  }
0x36: {  	[tilespmem:s29], [sflag:$0x1] =	stream.indirect.gather [spmem:s1], $0x40, s17, s17, $0xb8;
	[tilespmem:$0x14608] =	vst v63  }
0x37: {  	s31 =	rddreg [dreg:$0xa]  }
0x38: {  	[tilespmem:s30], [sflag:$0x1] =	stream.indirect.gather [spmem:s1], $0x40, s28, s17, $0xb8;
	[tilespmem:$0x14608] =	vst v63  }
0x39: {  	s29 =	rddreg [dreg:$0x9]  }
0x3a: {  	[tilespmem:s31], [sflag:$0x1] =	stream.indirect.gather [spmem:s1], $0x40, s29, s17, $0xb8;
	[tilespmem:$0x14608] =	vst v63  }
0x3b: {  	s28 =	rddreg [dreg:$0xb]  }
0x3c: {  	[tilespmem:s5], [sflag:$0x1] =	stream.indirect.gather [spmem:s1], $0x40, s28, s17, $0xb8;
	[tilespmem:$0x14608] =	vst v63  }
0x3d: {  	_ =	swait.ge [sflag:s18], $0x2000  }
0x3e: {  	[sflag:s18] =	ssyncset.done $0x0  }
0x3f: {  	[sflag:s18] =	ssyncadd.s32 $0xFFFFE000  }
0x40: {  	_ =	swait.ge [sflag:s18], $0x2000  }
0x41: {  	[sflag:s18] =	ssyncset.done $0x0  }
0x42: {  	[sflag:s18] =	ssyncadd.s32 $0xFFFFE000  }
0x43: {  	_ =	swait.ge [sflag:s18], $0x2000  }
0x44: {  	[sflag:s18] =	ssyncset.done $0x0  }
0x45: {  	[sflag:s18] =	ssyncadd.s32 $0xFFFFE000  }
0x46: {  	_ =	swait.ge [sflag:s18], $0x2000  }
0x47: {  	[sflag:s18] =	ssyncset.done $0x0  }
0x48: {  	s6 =	smin.u32 s2, $0x9D;
	[sflag:s18] =	ssyncadd.s32 $0xFFFFE000  }
0x49: {  	s0 =	smul.u32 $0x5, s6;
	_ =	swait.ge [sflag:s18], $0x2000  }
0x4a: {  	s28 =	rddreg [dreg:$0x4]  }
0x4b: {  	s0 =	sadd.s32 s0, s28  }
0x4c: {  	[sflag:s18] =	ssyncset.done $0x0;
	s0 =	sshll.u32 s0, $0x4  }
0x4d: {  	[sflag:s18] =	ssyncadd.s32 $0xFFFFE000;
	s0 =	sadd.s32 s3, s0  }
0x4e: {  	[tilespmem:s2], [sflag:$0x4] =	stream.linear.gather [hbm4b:s0+s2], $0x280, $0x38;
	[tilespmem:$0x14608] =	vst v63  }
0x4f: {  	_ = 	snop  }
0x50: {  	[hbm4b:s10+s2] =	stream.linear.scatter [tilespmem:s13], [sflag:$0x2], $0xA000, $0x38;
	[tilespmem:$0x14608] =	vst v63  }
0x51: {  	_ =	swait.ge [sflag:s19], $0x280  }
0x52: {  	[sflag:s19] =	ssyncset.done $0x0  }
0x53: {  	[sflag:s19] =	ssyncadd.s32 $0xFFFFFD80  }
0x54: {  	_ =	swait.ge [sflag:s20], $0xA000  }
0x55: {  	[sflag:s20] =	ssyncset.done $0x0  }
0x56: {  	s8 =	rddreg [dreg:$0xd];
	[sflag:s20] =	ssyncadd.s32 $0xFFFF6000  }
0x57: {  	[tilespmem:s14], [sflag:$0x1] =	stream.indirect.gather [spmem:s1], $0x40, s12, s17, $0xb8;
	[tilespmem:$0x14608] =	vst v63  }
0x58: {  	s28 =	rddreg [dreg:$0xe]  }
0x59: {  	[tilespmem:s28], [sflag:$0x1] =	stream.indirect.gather [spmem:s1], $0x40, s8, s17, $0xb8;
	[tilespmem:$0x14608] =	vst v63  }
0x5a: {  	s29 =	rddreg [dreg:$0xf]  }
0x5b: {  	[tilespmem:s21], [sflag:$0x1] =	stream.indirect.gather [spmem:s1], $0x40, s29, s17, $0xb8;
	[tilespmem:$0x14608] =	vst v63  }
0x5c: {  	_ = 	snop  }
0x5d: {  	[tilespmem:s23], [sflag:$0x1] =	stream.indirect.gather [spmem:s1], $0x40, s22, s17, $0xb8;
	[tilespmem:$0x14608] =	vst v63  }
0x5e: {  	_ = 	snop  }
0x5f: {  	[tilespmem:s25], [sflag:$0x1] =	stream.indirect.gather [spmem:s1], $0x40, s24, s17, $0xb8;
	[tilespmem:$0x14608] =	vst v63  }
0x60: {  	_ =	swait.ge [sflag:s18], $0x2000  }
0x61: {  	[sflag:s18] =	ssyncset.done $0x0  }
0x62: {  	[sflag:s18] =	ssyncadd.s32 $0xFFFFE000  }
0x63: {  	_ =	swait.ge [sflag:s18], $0x2000  }
0x64: {  	[sflag:s18] =	ssyncset.done $0x0  }
0x65: {  	[sflag:s18] =	ssyncadd.s32 $0xFFFFE000  }
0x66: {  	_ =	swait.ge [sflag:s18], $0x2000  }
0x67: {  	[sflag:s18] =	ssyncset.done $0x0  }
0x68: {  	[sflag:s18] =	ssyncadd.s32 $0xFFFFE000  }
0x69: {  	_ =	swait.ge [sflag:s18], $0x2000  }
0x6a: {  	[sflag:s18] =	ssyncset.done $0x0  }
0x6b: {  	s11 =	smin.u32 s2, $0x9C;
	[sflag:s18] =	ssyncadd.s32 $0xFFFFE000  }
0x6c: {  	s0 =	smul.u32 $0x5, s11;
	_ =	swait.ge [sflag:s18], $0x2000  }
0x6d: {  	s28 =	rddreg [dreg:$0x5]  }
0x6e: {  	s30 =	sadd.s32 $0x2800, s10;
	s31 =	smov.u32 s9;
	s0 =	sadd.s32 s0, s28  }
0x6f: {  	s29 =	sadd.s32 $0x2800, s9;
	[sflag:s18] =	ssyncset.done $0x0;
	s0 =	sshll.u32 s0, $0x4  }
0x70: {  	s28 =	simm.s32 $0x2;
	[sflag:s18] =	ssyncadd.s32 $0xFFFFE000;
	s0 =	sadd.s32 s3, s0  }
.LBB2_2:
0x71: {  	[tilespmem:s12], [sflag:$0x5] =	stream.linear.gather [hbm4b:s0+s2], $0x280, $0x38;
	[tilespmem:$0x14608] =	vst v63  }
0x72: {  	_ = 	snop  }
0x73: {  	[hbm4b:s31+s2] =	stream.linear.scatter [tilespmem:s14], [sflag:$0x3], $0xA000, $0x38;
	[tilespmem:$0x14608] =	vst v63  }
0x74: {  	_ =	swait.ge [sflag:s15], $0x280  }
0x75: {  	[sflag:s15] =	ssyncset.done $0x0  }
0x76: {  	[sflag:s15] =	ssyncadd.s32 $0xFFFFFD80  }
0x77: {  	_ =	swait.ge [sflag:s16], $0xA000  }
0x78: {  	s4 =	rddreg [dreg:$0xc]  }
0x79: {  	[sflag:s16] =	ssyncset.done $0x0;
	s6 =	rddreg [dreg:$0x7]  }
0x7a: {  	s5 =	rddreg [dreg:$0x6];
	[sflag:s16] =	ssyncadd.s32 $0xFFFF6000  }
0x7b: {  	[tilespmem:s13], [sflag:$0x1] =	stream.indirect.gather [spmem:s1], $0x40, s2, s17, $0xb8;
	[tilespmem:$0x14608] =	vst v63  }
0x7c: {  	s8 =	rddreg [dreg:$0x8]  }
0x7d: {  	[tilespmem:s5], [sflag:$0x1] =	stream.indirect.gather [spmem:s1], $0x40, s17, s17, $0xb8;
	[tilespmem:$0x14608] =	vst v63  }
0x7e: {  	s11 =	rddreg [dreg:$0xa]  }
0x7f: {  	[tilespmem:s8], [sflag:$0x1] =	stream.indirect.gather [spmem:s1], $0x40, s6, s17, $0xb8;
	[tilespmem:$0x14608] =	vst v63  }
0x80: {  	s5 =	rddreg [dreg:$0x9]  }
0x81: {  	[tilespmem:s11], [sflag:$0x1] =	stream.indirect.gather [spmem:s1], $0x40, s5, s17, $0xb8;
	[tilespmem:$0x14608] =	vst v63  }
0x82: {  	s8 =	rddreg [dreg:$0xb]  }
0x83: {  	[tilespmem:s4], [sflag:$0x1] =	stream.indirect.gather [spmem:s1], $0x40, s8, s17, $0xb8;
	[tilespmem:$0x14608] =	vst v63  }
0x84: {  	_ =	swait.ge [sflag:s18], $0x2000  }
0x85: {  	[sflag:s18] =	ssyncset.done $0x0  }
0x86: {  	[sflag:s18] =	ssyncadd.s32 $0xFFFFE000  }
0x87: {  	_ =	swait.ge [sflag:s18], $0x2000  }
0x88: {  	[sflag:s18] =	ssyncset.done $0x0  }
0x89: {  	[sflag:s18] =	ssyncadd.s32 $0xFFFFE000  }
0x8a: {  	_ =	swait.ge [sflag:s18], $0x2000  }
0x8b: {  	[sflag:s18] =	ssyncset.done $0x0  }
0x8c: {  	[sflag:s18] =	ssyncadd.s32 $0xFFFFE000  }
0x8d: {  	_ =	swait.ge [sflag:s18], $0x2000  }
0x8e: {  	s0 =	smov.u32 s28;
	[sflag:s18] =	ssyncset.done $0x0  }
0x8f: {  	s8 =	smin.u32 s0, $0x9D;
	[sflag:s18] =	ssyncadd.s32 $0xFFFFE000  }
0x90: {  	s4 =	smul.u32 $0x5, s8;
	_ =	swait.ge [sflag:s18], $0x2000  }
0x91: {  	s11 =	rddreg [dreg:$0x4]  }
0x92: {  	s4 =	sadd.s32 s4, s11  }
0x93: {  	[sflag:s18] =	ssyncset.done $0x0;
	s4 =	sshll.u32 s4, $0x4  }
0x94: {  	[sflag:s18] =	ssyncadd.s32 $0xFFFFE000;
	s4 =	sadd.s32 s3, s4  }
0x95: {  	[tilespmem:s2], [sflag:$0x4] =	stream.linear.gather [hbm4b:s4+s2], $0x280, $0x38;
	[tilespmem:$0x14608] =	vst v63  }
0x96: {  	_ = 	snop  }
0x97: {  	[hbm4b:s30+s2] =	stream.linear.scatter [tilespmem:s13], [sflag:$0x2], $0xA000, $0x38;
	[tilespmem:$0x14608] =	vst v63  }
0x98: {  	_ =	swait.ge [sflag:s19], $0x280  }
0x99: {  	[sflag:s19] =	ssyncset.done $0x0  }
0x9a: {  	[sflag:s19] =	ssyncadd.s32 $0xFFFFFD80  }
0x9b: {  	_ =	swait.ge [sflag:s20], $0xA000  }
0x9c: {  	[sflag:s20] =	ssyncset.done $0x0  }
0x9d: {  	s5 =	rddreg [dreg:$0xd];
	[sflag:s20] =	ssyncadd.s32 $0xFFFF6000  }
0x9e: {  	[tilespmem:s14], [sflag:$0x1] =	stream.indirect.gather [spmem:s1], $0x40, s12, s17, $0xb8;
	[tilespmem:$0x14608] =	vst v63  }
0x9f: {  	s6 =	rddreg [dreg:$0xe]  }
0xa0: {  	[tilespmem:s6], [sflag:$0x1] =	stream.indirect.gather [spmem:s1], $0x40, s5, s17, $0xb8;
	[tilespmem:$0x14608] =	vst v63  }
0xa1: {  	s8 =	rddreg [dreg:$0xf]  }
0xa2: {  	[tilespmem:s21], [sflag:$0x1] =	stream.indirect.gather [spmem:s1], $0x40, s8, s17, $0xb8;
	[tilespmem:$0x14608] =	vst v63  }
0xa3: {  	_ = 	snop  }
0xa4: {  	[tilespmem:s23], [sflag:$0x1] =	stream.indirect.gather [spmem:s1], $0x40, s22, s17, $0xb8;
	[tilespmem:$0x14608] =	vst v63  }
0xa5: {  	_ = 	snop  }
0xa6: {  	[tilespmem:s25], [sflag:$0x1] =	stream.indirect.gather [spmem:s1], $0x40, s24, s17, $0xb8;
	[tilespmem:$0x14608] =	vst v63  }
0xa7: {  	_ =	swait.ge [sflag:s18], $0x2000  }
0xa8: {  	[sflag:s18] =	ssyncset.done $0x0  }
0xa9: {  	[sflag:s18] =	ssyncadd.s32 $0xFFFFE000  }
0xaa: {  	_ =	swait.ge [sflag:s18], $0x2000  }
0xab: {  	[sflag:s18] =	ssyncset.done $0x0  }
0xac: {  	[sflag:s18] =	ssyncadd.s32 $0xFFFFE000  }
0xad: {  	_ =	swait.ge [sflag:s18], $0x2000  }
0xae: {  	[sflag:s18] =	ssyncset.done $0x0  }
0xaf: {  	[sflag:s18] =	ssyncadd.s32 $0xFFFFE000  }
0xb0: {  	_ =	swait.ge [sflag:s18], $0x2000  }
0xb1: {  	s0 =	smin.u32 s0, $0x9C;
	[sflag:s18] =	ssyncset.done $0x0  }
0xb2: {  	p1 =	sne.s32 s28, $0x9E;
	s0 =	smul.u32 $0x5, s0;
	[sflag:s18] =	ssyncadd.s32 $0xFFFFE000  }
.Ltmp0:
0xb3: {  	_ =	swait.ge [sflag:s18], $0x2000;
	(pc) =	sbr.rel @p1 .LBB2_2-.Ltmp0, $4  }
0xb4: {  	s11 =	rddreg [dreg:$0x5]  }
0xb5: {  	s28 =	sadd.s32 $0x2, s28;
	s31 =	smov.u32 s29;
	s0 =	sadd.s32 s0, s11  }
0xb6: {  	s29 =	sadd.s32 $0x2800, s29;
	[sflag:s18] =	ssyncset.done $0x0;
	s0 =	sshll.u32 s0, $0x4  }
0xb7: {  	s30 =	sadd.s32 $0x2800, s30;
	[sflag:s18] =	ssyncadd.s32 $0xFFFFE000;
	s0 =	sadd.s32 s3, s0  }
0xb8: {  	[tilespmem:s12], [sflag:$0x5] =	stream.linear.gather [hbm4b:s0+s2], $0x280, $0x38;
	[tilespmem:$0x14608] =	vst v63  }
0xb9: {  	_ = 	snop  }
0xba: {  	[hbm4b:s31+s2] =	stream.linear.scatter [tilespmem:s14], [sflag:$0x3], $0xA000, $0x38;
	[tilespmem:$0x14608] =	vst v63  }
0xbb: {  	_ =	swait.ge [sflag:s16], $0xA000  }
0xbc: {  	[sflag:s16] =	ssyncset.done $0x0  }
0xbd: {  	[sflag:s16] =	ssyncadd.s32 $0xFFFF6000  }
0xbe: {  	_ =	swait.ge [sflag:s20], $0xA000  }
0xbf: {  	[sflag:s20] =	ssyncset.done $0x0  }
0xc0: {  	[sflag:s20] =	ssyncadd.s32 $0xFFFF6000  }
0xc1: {  	_ =	swait.ge [sflag:s15], $0x280  }
0xc2: {  	[sflag:s15] =	ssyncset.done $0x0  }
0xc3: {  	[sflag:s15] =	ssyncadd.s32 $0xFFFFFD80  }
0xc4: {  	_ =	swait.ge [sflag:s19], $0x280  }
0xc5: {  	s26 =	sadd.s32 $0x1, s26;
	s31 =	rddreg [dreg:$0x13]  }
0xc6: {  	p1 =	sne.s32 s26, s31  }
.Ltmp1:
0xc7: {  	_ = 	snop;
	(pc) =	sbr.rel @p1 .LBB2_1-.Ltmp1, $3  }
0xc8: {  	_ =	sdelay $0x1  }
0xc9: {  	[sflag:s19] =	ssyncset.done $0x0  }
0xca: {  	[sflag:s19] =	ssyncadd.s32 $0xFFFFFD80  }
0xcb: {  	_ =	sfence.sel $0x180000  }
0xcc: {  	[bflag:$0x0] =	sbarrier.arrive $0xFFFF  }
0xcd: {  	_ =	strace $0x90000047  }
0xce: {  	[bflag:$0x2] =	sbarrier.arrive $0xFFFF  }
0xcf: {  	s0 =	rddreg [dreg:$0x3]  }
0xd0: {  	s0 =	sadd.s32 @!p0 $0x100000, s0  }
0xd1: {  	[sflag:s0] =	ssyncadd.tile.s32 @!p0 $0x1;
	_ =	shalt  }
.Lfunc_end2:
_tile_overlayer_lowered:
.L_overlay_start_2:
0xd2: {  	(tag) =	ssettag $0x2  }
0xd3: {  	s0 =	rddreg [dreg:$0x0];
	s2 =	stileid.u32  }
0xd4: {  	s1 =	rddreg [dreg:$0x1];
	p0 =	sne.s32 s2, $0x0  }
0xd5: {  	s3 =	rddreg [dreg:$0x2];
	[bflag:$0x3] =	sbarrier.arrive $0xFFFF;
	s2 =	simm.s32 @!p0 $0x1C06  }
0xd6: {  	[timem:s3], [sflag:s2] =	dma.local @!p0 [hbm:s0], s1  }
0xd7: {  	s0 =	simm.s32 @!p0 $0x6  }
0xd8: {  	_ =	swait.ge @!p0 [sflag:s0], s1  }
0xd9: {  	s1 =	ssub.s32 @!p0 $0x0, s1;
	[sflag:s0] =	ssyncset.done @!p0 $0x0  }
0xda: {  	[sflag:s0] =	ssyncadd.s32 @!p0 s1  }
0xdb: {  	[bflag:$0x3] =	sbarrier.arrive $0xFFFF  }
0xdc: {  	_ =	shalt  }

// kernel: sparse-core-data-format-call.cloned.1.call-start
scs
called_computation_lowered:
.L_overlay_start_0:
0x0: {  	s2 =	sld [smem:$0x3FD9]  }
0x1: {  	s3 =	sld [smem:$0x3FFE];
	_ =	sdelay $0x1  }
0x2: {  	s1 =	srdreg.scid  }
0x3: {  	s0 =	sand.u32 $0x1, s1  }
0x4: {  	s18 =	sshll.u32 s0, $0xA;
	s2 =	sadd.s32 s3, s2  }
0x5: {  	s2 =	sadd.s32 s2, s18  }
0x6: {  	[smem:$0x3FC6] =	sst s2  }
0x7: {  	_ = 	snop  }
0x8: {  	s2 =	sld [smem:$0x3FD0];
	(tm) =	ssettm $0x1  }
0x9: {  	s19 =	sld [smem:$0x3FFB];
	_ =	sdelay $0x3  }
0xa: {  	_ =	strace s19  }
0xb: {  	s3 =	sld [smem:$0x3FFC];
	_ =	sdelay $0x3  }
0xc: {  	_ =	strace s3  }
0xd: {  	s3 =	sld [smem:$0x3FFD];
	_ =	sdelay $0x3  }
0xe: {  	_ =	strace s3  }
0xf: {  	_ =	strace $0x8FFFFFFF  }
0x10: {  	s20 =	sld [smem:$0x3FDB];
	_ =	sdelay $0x1  }
0x11: {  	s4 =	simm.s32 $_scs_section_size  }
0x12: {  	s5 =	simm.s32 $_size__tile_overlayer_lowered;
	s6 =	simm.s32 $_tile_overlayer_lowered  }
0x13: {  	s23 =	simm.s32 $0x1BFF;
	s22 =	sshll.u32 s6, $0x1;
	s3 =	sadd.s32 s4, s20  }
0x14: {  	s7 =	simm.s32 $0x0;
	s21 =	sshll.u32 s5, $0x1;
	s5 =	sadd.s32 s22, s3  }
0x15: {  	[timem:s7], [sflag:s23] =	dma.local [hbm:s5], s21  }
0x16: {  	_ =	swait.ge [sflag:s23], s21  }
0x17: {  	s4 =	ssub.s32 $0x0, s21;
	[sflag:s23] =	ssyncset.done $0x0  }
0x18: {  	[sflag:s23] =	ssyncadd.s32 s4;
	_ =	sdelay $0x1  }
0x19: {  	s24 =	simm.s32 $0x1B8B  }
0x1a: {  	_ =	swait.ge [sflag:s24], $0x1  }
0x1b: {  	[sflag:s24] =	ssyncset.done $0x0  }
0x1c: {  	s26 =	simm.s32 $0x1B8E;
	s25 =	sld [smem:$0x3FFE];
	[sflag:s24] =	ssyncadd.s32 $0xFFFFFFFF  }
0x1d: {  	s27 =	simm.s32 $execute0_lowered;
	[smem:$0x3FD2] =	sst s26  }
0x1e: {  	s5 =	sshll.u32 s27, $0x1;
	_ =	strace $0x80000049;
	[dreg:$0x1] =	wrdreg $0xFFFFFFFF  }
0x1f: {  	s28 =	simm.s32 $_size_execute0_lowered;
	s3 =	sadd.s32 s3, s5;
	[dreg:$0x0] =	wrdreg $0x0  }
0x20: {  	s5 =	sshll.u32 s28, $0x1;
	[dreg:$0x2] =	wrdreg s3  }
0x21: {  	[dreg:$0x3] =	wrdreg s5  }
0x22: {  	[dreg:$0x4] =	wrdreg $0xC0  }
0x23: {  	_ =	task [dreg:s7], $0x5FFFF  }
0x24: {  	[dreg:$0x1] =	wrdreg $0xFFFFFFFF  }
0x25: {  	[dreg:$0x0] =	wrdreg $0x60  }
0x26: {  	[dreg:$0x2] =	wrdreg s25  }
0x27: {  	[dreg:$0x3] =	wrdreg s2  }
0x28: {  	[dreg:$0x4] =	wrdreg $0x9  }
0x29: {  	_ =	task.clear_ibuf [dreg:s7], $0x5FFFF;
	_ =	strace $0x90000049  }
0x2a: {  	s29 =	simm.s32 $0x9;
	_ =	strace $0x8000004B  }
0x2b: {  	_ =	swait.ge [sflag:s29], $0x1  }
0x2c: {  	[sflag:s29] =	ssyncadd.s32 $0xFFFFFFFF  }
0x2d: {  	_ =	strace $0x9000004B  }
0x2e: {  	_ =	sfence  }
0x2f: {  	s30 =	sld [smem:$0x0];
	_ =	sdelay $0x2  }
0x30: {  	s31 =	sshll.u32 s1, $0xD;
	s1 =	sshrl.u32 s1, $0x2  }
0x31: {  	s3 =	sand.u32 $0x4000, s31;
	s1 =	sadd.s32 s1, s30  }
0x32: {  	s0 =	sor.u32 s3, s0;
	s1 =	sshll.u32 s1, $0x11  }
0x33: {  	s0 =	sor.u32 s1, s0  }
0x34: {  	s0 =	sadd.s32 $0x8F2B, s0  }
0x35: {  	[sflag:s0] =	ssyncadd.remote.s32 $0x1  }
0x36: {  	_ =	sfence.sel $0xFFFF  }
0x37: {  	[dreg:$0x0] =	wrdreg $0xFFFFFFFF;
	(pc) =	sbr.abs _section_cstart, $3  }
0x38: {  	[dreg:$0x1] =	wrdreg $0xFFFFFFFF  }
0x39: {  	_ =	task.clear_ibuf [dreg:s7], $0x2FFFF;
	_ =	strace $0x9FFFFFFF  }
0x3a: {  	(tm) =	ssettm $0x7FFFFFFF  }
0x3b: {  	_ =	shalt  }
tec
execute0_lowered:
.L_overlay_start_1:
0x0: {  	(tag) =	ssettag $0x1  }
0x1: {  	s0 =	srdreg.scid  }
0x2: {  	s1 =	sshll.u32 s0, $0x4  }
0x3: {  	s0 =	stileid.u32;
	s1 =	sand.u32 $0x10, s1  }
0x4: {  	s1 =	sor.u32 s0, s1  }
0x5: {  	s6 =	rddreg [dreg:$0x0];
	s4 =	simm.s32 $0x1;
	s2 =	sshll.u32 s1, $0x7  }
0x6: {  	s7 =	simm.s32 $0x2;
	s12 =	simm.s32 $0x0;
	s1 =	ssub.s32 $0x4000, s2  }
0x7: {  	s8 =	simm.s32 $0x20000;
	s13 =	simm.s32 $0x0;
	s3 =	sand.u32 $0xF80, s1  }
0x8: {  	s9 =	simm.s32 $0x0;
	s5 =	sshrl.u32 s1, $0xC;
	p0 =	sne.s32 s3, $0x0  }
.Ltmp0:
0x9: {  	s1 =	rddreg [dreg:$0x2];
	s4 =	simm.s32 @!p0 $0x0;
	(pc) =	sbr.rel .LBB1_1-.Ltmp0, $4  }
0xa: {  	s11 =	simm.s32 $0x0;
	s3 =	rddreg [dreg:$0x1];
	s5 =	sadd.s32 s4, s5  }
0xb: {  	_ =	strace $0x8000004A;
	s4 =	simm.s32 $0x1;
	s5 =	smul.u32 $0xC8, s5  }
0xc: {  	s6 =	sadd.s32 $0x800, s6;
	s10 =	smov.u32 s2;
	[sflag:s4] =	ssyncpa.u1 $0x0  }
0xd: {  	p0 =	por $0x0, $0x0;
	[sflag:s7] =	ssyncpa.u1 $0x0;
	s7 =	sor.u32 $0x1, s5  }
.LBB1_4:
0xe: {  	s16 =	sshll.u32 s13, $0x3;
	s17 =	sand.u32 $0x78, s13  }
0xf: {  	s30 =	sand.u32 $0x1F800, s13;
	s12 =	sshll.u32 s12, $0x11;
	s16 =	sand.u32 $0x3C00, s16  }
0x10: {  	[tilespmem:s15+$0x810 ss:$0x81] =	vst.msk $0xffff, v2;
	s31 =	sand.u32 $0x7, s13;
	s16 =	sor.u32 s17, s16;
	s17 =	sadd.s32 s3, s30  }
0x11: {  	[tilespmem:s15+$0x1020 ss:$0x81] =	vst.msk $0xffff, v0;
	s13 =	sshll.u32 s31, $0x12;
	s12 =	sadd.s32 s12, s17;
	s16 =	sshrl.u32 s16, $0x3  }
0x12: {  	[tilespmem:s15+$0x0 ss:$0x81] =	vst.msk $0xffff, v1;
	s13 =	sor.u32 $0x400, s13;
	s12 =	sadd.s32 s16, s12  }
0x13: {  	[hbm4b:s12+s13] =	stream.strided.scatter [tilespmem:s14], [sflag:$0x2], $0x2000, s8, s13, $0x20;
	[tilespmem:$0x8080] =	vst v63  }
.LBB1_5:
0x14: {  	s14 =	sadd.s32 $0x1, s9  }
0x15: {  	s12 =	sadd.s32 $0x1000, s10;
	s16 =	smov.u32 s10;
	p2 =	sgt.s32 s14, $0xC7  }
0x16: {  	s16 =	smov.u32 @p2 s12  }
0x17: {  	s14 =	simm.s32 @p2 $0x0;
	p2 =	sgt.s32 s16, $0x3FFF  }
0x18: {  	s16 =	smov.u32 @p2 s2;
	p2 =	sne.s32 s11, s7  }
.Ltmp1:
0x19: {  	p1 =	slt.u32 s11, $0x2;
	(pc) =	sbr.rel @!p2 .LBB1_6-.Ltmp1, $4  }
0x1a: {  	s15 =	simm.s32 @!p1 $0x2  }
0x1b: {  	s13 =	smov.u32 s10;
	p0 =	por !p0, !p0;
	_ =	swait.ge @!p1 [sflag:s15], $0x2000  }
0x1c: {  	s12 =	smov.u32 s9;
	[sflag:s15] =	ssyncset.done @!p1 $0x0;
	s9 =	smov.u32 s14  }
0x1d: {  	s11 =	sadd.s32 $0x1, s11;
	[sflag:s15] =	ssyncadd.s32 @!p1 $0xFFFFE000;
	s10 =	smov.u32 s16  }
.LBB1_1:
0x1e: {  	p1 =	sge.u32 s11, s5  }
0x1f: {  	s14 =	sand.u32 @!p1 $0x1FFFFFF, s9  }
0x20: {  	s15 =	smulhi.u32 @!p1 $0x147AE15, s14;
	_ =	sdelay $0x1  }
0x21: {  	s15 =	smul.u32 @!p1 $0xC8, s15  }
0x22: {  	s16 =	sxor.u32 @!p1 $0xFFFFFFFF, s11;
	s17 =	smul.u32 @!p1 $0xC80, s10  }
0x23: {  	s31 =	sadd.s32 $0xFFFFFFFF, s11;
	s16 =	sshll.u32 @!p1 s16, $0xD;
	s14 =	ssub.s32 @!p1 s14, s15  }
0x24: {  	s15 =	sand.u32 @!p1 $0x2000, s16;
	s16 =	sadd.s32 @!p1 s6, s17;
	s14 =	sshll.u32 @!p1 s14, $0x4  }
0x25: {  	s17 =	simm.s32 @!p1 $0x6400;
	s14 =	sadd.s32 @!p1 s14, s16;
	s16 =	simm.s32 @!p1 $0x40  }
0x26: {  	[tilespmem:s15], [sflag:$0x1] =	stream.strided.gather @!p1 [hbm4b:s14+s16], $0x2000, s17, s16, $0x38;
	[tilespmem:$0x8080] =	vst v63  }
0x27: {  	p1 =	sge.u32 s31, s5  }
.Ltmp2:
0x28: {  	_ = 	snop;
	(pc) =	sbr.rel @p1 .LBB1_5-.Ltmp2, $1  }
0x29: {  	_ =	sdelay $0x3  }
0x2a: {  	s14 =	simm.s32 $0x1  }
0x2b: {  	_ =	swait.ge [sflag:s4], $0x2000;
	s14 =	simm.s32 @!p0 $0x0  }
0x2c: {  	[sflag:s4] =	ssyncset.done $0x0;
	s15 =	sshll.u32 s14, $0xD  }
0x2d: {  	[sflag:s4] =	ssyncadd.s32 $0xFFFFE000;
	s18 =	sor.u32 $0x20, s15  }
0x2e: {  	s14 =	smul.u32 $0x8100, s14;
	v3 =	vld [tilespmem:s18+$0x10]  }
0x2f: {  	s30 =	sand.u32 $0x1, s11;
	v2 =	vld [tilespmem:s18+$0xFFFFFFF0]  }
0x30: {  	s15 =	smul.u32 $0x8100, s30;
	s14 =	sshrl.u32 s14, $0x2;
	v0 =	vld [tilespmem:s18+$0x0]  }
0x31: {  	v1 =	vld [tilespmem:s18+$0xFFFFFFE0];
	s16 =	sor.u32 $0x4000, s14  }
0x32: {  	s31 =	sshrl.u32 s15, $0x2;
	s15 =	sadd.s32 $0x0, s16  }
0x33: {  	s17 =	simm.s32 $0x4;
	s18 =	sadd.s32 $0x40, s18;
	s14 =	sor.u32 $0x4000, s31;
	[tilespmem:s15+$0x1830 ss:$0x81] =	vst.msk $0xffff, v3  }
.LBB1_3:
0x34: {  	v3 =	vld [tilespmem:s18+$0x10];
	p1 =	sne.s32 s17, $0x1FC;
	[tilespmem:s15+$0x810 ss:$0x81] =	vst.msk $0xffff, v2;
	s19 =	smov.u32 s17;
	s17 =	sadd.s32 $0x4, s17  }
.Ltmp3:
0x35: {  	v2 =	vld [tilespmem:s18+$0xFFFFFFF0];
	[tilespmem:s15+$0x1020 ss:$0x81] =	vst.msk $0xffff, v0;
	(pc) =	sbr.rel @p1 .LBB1_3-.Ltmp3, $4  }
0x36: {  	v0 =	vld [tilespmem:s18+$0x0];
	[tilespmem:s15+$0x0 ss:$0x81] =	vst.msk $0xffff, v1  }
0x37: {  	s15 =	sshra.s32 s19, $0x2;
	v1 =	vld [tilespmem:s18+$0xFFFFFFE0]  }
0x38: {  	s15 =	sadd.s32 s15, s16  }
0x39: {  	s18 =	sadd.s32 $0x40, s18;
	[tilespmem:s15+$0x1830 ss:$0x81] =	vst.msk $0xffff, v3  }
.Ltmp4:
0x3a: {  	_ = 	snop;
	(pc) =	sbr.rel .LBB1_4-.Ltmp4, $1  }
0x3b: {  	_ =	sdelay $0x3  }
.LBB1_6:
0x3c: {  	_ =	sfence.sel $0x180000  }
0x3d: {  	s2 =	simm.s32 $0x1;
	[bflag:$0x0] =	sbarrier.arrive $0xFFFF  }
0x3e: {  	s31 =	simm.s32 $0x2;
	[sflag:s2] =	ssyncpa.u1 $0x1  }
0x3f: {  	[sflag:s31] =	ssyncpa.u1 $0x1  }
0x40: {  	p0 =	sne.s32 s0, $0x0;
	_ =	strace $0x9000004A  }
0x41: {  	s0 =	sadd.s32 @!p0 $0x100000, s1;
	[bflag:$0x2] =	sbarrier.arrive $0xFFFF  }
0x42: {  	[sflag:s0] =	ssyncadd.tile.s32 @!p0 $0x1;
	_ =	shalt  }
.Lfunc_end1:
_tile_overlayer_lowered:
.L_overlay_start_2:
0x43: {  	(tag) =	ssettag $0x2  }
0x44: {  	s0 =	rddreg [dreg:$0x0];
	s2 =	stileid.u32  }
0x45: {  	s1 =	rddreg [dreg:$0x1];
	p0 =	sne.s32 s2, $0x0  }
0x46: {  	s3 =	rddreg [dreg:$0x2];
	[bflag:$0x3] =	sbarrier.arrive $0xFFFF;
	s2 =	simm.s32 @!p0 $0x1C01  }
0x47: {  	[timem:s3], [sflag:s2] =	dma.local @!p0 [hbm:s0], s1  }
0x48: {  	s0 =	simm.s32 @!p0 $0x1  }
0x49: {  	_ =	swait.ge @!p0 [sflag:s0], s1  }
0x4a: {  	s1 =	ssub.s32 @!p0 $0x0, s1;
	[sflag:s0] =	ssyncset.done @!p0 $0x0  }
0x4b: {  	[sflag:s0] =	ssyncadd.s32 @!p0 s1  }
0x4c: {  	[bflag:$0x3] =	sbarrier.arrive $0xFFFF  }
0x4d: {  	_ =	shalt  }

</sc_bundles>
